<compile_context>
chip_gen: v7x
topology: tpu7x:2x2x1
jax: 0.10.2.dev20260603
libtpu: 0.0.44.dev20260713+nightly
codegen_flags: <defaults>
</compile_context>

<pallas_src>
import dataclasses
import functools

import jax
import jax.numpy as jnp
from jax import lax
from jax.experimental import pallas as pl
from jax.experimental.pallas import tpu as pltpu
from jax.experimental.pallas import tpu_sc as plsc

NC = 2
NS = 16
CL = 16


def _pick_chunk(ept: int) -> int:
    for b in range(128, 15, -16):
        if ept % b == 0:
            return b
    raise ValueError(f"per-tile edge count {ept} has no mult-of-16 divisor <= 128")


def _sc_aggregate(src, dst, x):
    n, d = x.shape
    e = src.shape[0]
    assert e % (NC * NS) == 0 and d % CL == 0
    ept = e // (NC * NS)
    b = _pick_chunk(ept)
    nchunk = ept // b
    npad = -(-n // (NS * CL)) * NS * CL
    rpt = npad // NS
    assert rpt % b == 0 and rpt % CL == 0

    mesh = plsc.VectorSubcoreMesh(core_axis_name="c", subcore_axis_name="s")
    cp = pltpu.CompilerParams()
    if "needs_layout_passes" in pltpu.CompilerParams.__dataclass_fields__:
        cp = dataclasses.replace(cp, needs_layout_passes=False)

    @functools.partial(
        pl.kernel,
        compiler_params=cp,
        out_type=(
            jax.ShapeDtypeStruct((NC, npad, d), jnp.float32),
            jax.ShapeDtypeStruct((NC, NS, npad), jnp.float32),
        ),
        mesh=mesh,
        scratch_types=[
            pltpu.VMEM_SHARED((npad, d), jnp.float32),
            pltpu.VMEM((6, 1, b), jnp.int32),
            pltpu.VMEM((6, 1, b), jnp.int32),
            pltpu.VMEM((b, d), jnp.float32),
            pltpu.VMEM((b, d), jnp.float32),
            pltpu.VMEM((b, d), jnp.float32),
            pltpu.VMEM((npad,), jnp.float32),
            pltpu.SemaphoreType.DMA,
            pltpu.SemaphoreType.DMA,
            pltpu.SemaphoreType.DMA,
            pltpu.SemaphoreType.DMA,
            pltpu.SemaphoreType.DMA,
            pltpu.SemaphoreType.DMA,
            pltpu.SemaphoreType.DMA,
            pltpu.SemaphoreType.DMA,
            pltpu.SemaphoreType.DMA,
            pltpu.SemaphoreType.DMA,
            pltpu.SemaphoreType.DMA,
            pltpu.SemaphoreType.DMA,
            pltpu.SemaphoreType.DMA,
        ],
    )
    def sc_agg(src_hbm, dst_hbm, x_hbm, sum_out, cnt_out,
               sum_sh, sidx, didx, rows0, rows1, rows2, hist,
               gsem0, gsem1, gsem2, ssem0, ssem1, ssem2,
               isem0, isem1, isem2, isem3, isem4, isem5, zsem):
        c = lax.axis_index("c")
        s = lax.axis_index("s")
        rows = (rows0, rows1, rows2)
        gsem = (gsem0, gsem1, gsem2)
        ssem = (ssem0, ssem1, ssem2)
        isem = (isem0, isem1, isem2, isem3, isem4, isem5)

        @pl.loop(0, b)
        def _(r):
            @pl.loop(0, d // CL)
            def _(k):
                rows0[r, pl.ds(k * CL, CL)] = jnp.zeros((CL,), jnp.float32)

        @pl.loop(0, npad // CL)
        def _(i):
            hist[pl.ds(i * CL, CL)] = jnp.zeros((CL,), jnp.float32)

        row0 = s * rpt

        @pl.loop(0, rpt // b)
        def _(i):
            pltpu.async_copy(rows0, sum_sh.at[pl.ds(row0 + i * b, b)], zsem)

        tile_base = (c * NS + s) * ept

        def load_idx(slot, g, sem):
            base = tile_base + g * b
            pltpu.async_copy(src_hbm.at[pl.ds(base, b)], sidx.at[slot, 0], sem)
            pltpu.async_copy(dst_hbm.at[pl.ds(base, b)], didx.at[slot, 0], sem)

        def wait_idx(slot, sem):
            pltpu.make_async_copy(src_hbm.at[pl.ds(0, b)],
                                  sidx.at[slot, 0], sem).wait()
            pltpu.make_async_copy(dst_hbm.at[pl.ds(0, b)],
                                  didx.at[slot, 0], sem).wait()

        for j in range(min(5, nchunk)):
            load_idx(j, j, isem[j])

        @pl.loop(0, rpt // b)
        def _(i):
            pltpu.make_async_copy(rows0, sum_sh.at[pl.ds(row0, b)],
                                  zsem).wait()

        wait_idx(0, isem[0])
        pltpu.async_copy(x_hbm.at[sidx.at[0, 0]], rows0, gsem0)
        if nchunk > 1:
            wait_idx(1, isem[1])
            pltpu.async_copy(x_hbm.at[sidx.at[1, 0]], rows1, gsem1)
        plsc.subcore_barrier()

        @pl.loop(0, (nchunk + 6) // 6)
        def _(t):
            for r in range(6):
                g = t * 6 + r
                r3 = r % 3
                r6 = r

                q3 = (r + 2) % 3
                q6 = (r + 5) % 6

                @pl.when(jnp.logical_and(g >= 1, g <= nchunk))
                def _(g=g, q3=q3, q6=q6):
                    pltpu.make_async_copy(rows[q3],
                                          sum_sh.at[didx.at[q6, 0]],
                                          ssem[q3]).wait()

                @pl.when(g < nchunk)
                def _(g=g, r3=r3, r6=r6):
                    pltpu.make_async_copy(x_hbm.at[sidx.at[r6, 0]],
                                          rows[r3], gsem[r3]).wait()
                    pltpu.async_copy(rows[r3], sum_sh.at[didx.at[r6, 0]],
                                     ssem[r3], add=True)

                    @pl.loop(0, b // CL)
                    def _(k):
                        dvec = didx[r6, 0, pl.ds(k * CL, CL)]
                        run, last = plsc.scan_count(dvec)
                        plsc.addupdate_scatter(hist, [dvec],
                                               run.astype(jnp.float32),
                                               mask=last)

                @pl.when(g + 5 < nchunk)
                def _(g=g, r6=r6):
                    load_idx((r6 + 5) % 6, g + 5, isem[(r6 + 5) % 6])

                @pl.when(g + 2 < nchunk)
                def _(g=g, r3=r3, r6=r6):
                    wait_idx((r6 + 2) % 6, isem[(r6 + 2) % 6])
                    pltpu.async_copy(x_hbm.at[sidx.at[(r6 + 2) % 6, 0]],
                                     rows[(r3 + 2) % 3], gsem[(r3 + 2) % 3])

        pltpu.async_copy(hist, cnt_out.at[c].at[s], zsem)

        plsc.subcore_barrier()
        pltpu.sync_copy(sum_sh.at[pl.ds(row0, rpt)],
                        sum_out.at[c].at[pl.ds(row0, rpt)])
        pltpu.make_async_copy(hist, cnt_out.at[c].at[s], zsem).wait()

    return sc_agg(src, dst, x)


def _finish_body(sum_ref, inv_ref, x_ref, wl_ref, wr_ref, bl_ref, o_ref):
    mean = (sum_ref[0] + sum_ref[1]) * inv_ref[...]
    acc = jnp.dot(mean, wl_ref[...], preferred_element_type=jnp.float32)
    acc = acc + jnp.dot(x_ref[...], wr_ref[...], preferred_element_type=jnp.float32)
    acc = acc + bl_ref[...]
    o_ref[...] = jnp.maximum(acc, 0.0)


def _tc_finish(x, sum_p, inv_cnt, wl_t, wr_t, bl):
    n, d = x.shape
    bt = 2000 if n % 2000 == 0 else n
    grid = (n // bt,)
    return pl.pallas_call(
        _finish_body,
        grid=grid,
        in_specs=[
            pl.BlockSpec((NC, bt, d), lambda i: (0, i, 0)),
            pl.BlockSpec((bt, 1), lambda i: (i, 0)),
            pl.BlockSpec((bt, d), lambda i: (i, 0)),
            pl.BlockSpec((d, d), lambda i: (0, 0)),
            pl.BlockSpec((d, d), lambda i: (0, 0)),
            pl.BlockSpec((1, d), lambda i: (0, 0)),
        ],
        out_specs=pl.BlockSpec((bt, d), lambda i: (i, 0)),
        out_shape=jax.ShapeDtypeStruct((n, d), jnp.float32),
    )(sum_p, inv_cnt, x, wl_t, wr_t, bl)


def kernel(x, edge_index, W_l, b_l, W_r):
    n = x.shape[0]
    src = edge_index[0].astype(jnp.int32)
    dst = edge_index[1].astype(jnp.int32)
    sum_p, cnt_p = _sc_aggregate(src, dst, x)
    cnt = jnp.sum(cnt_p, axis=(0, 1))[:n]
    inv_cnt = (1.0 / jnp.maximum(cnt, 1.0)).reshape(n, 1)
    return _tc_finish(x, sum_p, inv_cnt, W_l.T, W_r.T, b_l.reshape(1, -1))

# --- scband reference (transcript-rebuilt; emitter-appended) ---
"""Pipeline reference for scband-fused-block0-7-68109591380139 (READ-ONLY COPY).

The authoritative reference and input builder live on the scoring server;
editing this copy changes nothing except your own understanding.
"""

import jax, jax.numpy as jnp
import numpy as np


def setup_inputs(seed: int = 0) -> dict:
    key = jax.random.key(seed)
    k_x, k_e, k_wl, k_bl, k_wr = jax.random.split(key, 5)
    num_nodes = 10000
    num_edges = 320000
    in_channels = 128
    out_channels = 128
    x = jax.random.normal(k_x, (num_nodes, in_channels), dtype=jnp.float32)
    edge_index = jax.random.randint(k_e, (2, num_edges), 0, num_nodes, dtype=jnp.int64)
    # Linear params (torch nn.Linear: W [out, in], bias [out])
    lim = 1.0 / np.sqrt(in_channels)
    W_l = jax.random.uniform(k_wl, (out_channels, in_channels), dtype=jnp.float32, minval=-lim, maxval=lim)
    b_l = jax.random.uniform(k_bl, (out_channels,), dtype=jnp.float32, minval=-lim, maxval=lim)
    W_r = jax.random.uniform(k_wr, (out_channels, in_channels), dtype=jnp.float32, minval=-lim, maxval=lim)
    return {"x": x, "edge_index": edge_index, "W_l": W_l, "b_l": b_l, "W_r": W_r}


def reference(x, edge_index, W_l, b_l, W_r):
    num_nodes = x.shape[0]
    num_edges = edge_index.shape[1]
    # 1. GATHER: neighbor (source) features
    x_j = jnp.take(x, edge_index[0], axis=0)
    target_nodes = edge_index[1]
    # 2. MESSAGE: identity
    # 3. REDUCE_SUM: scatter-add into destination nodes
    sum_agg = jax.ops.segment_sum(x_j, target_nodes, num_segments=num_nodes)
    # 4. REDUCE_COUNT: count neighbors per destination node
    ones = jnp.ones((num_edges,), dtype=jnp.float32)
    count = jax.ops.segment_sum(ones, target_nodes, num_segments=num_nodes)
    # 5. NORMALIZE: mean aggregation (clamp count to >= 1)
    count_clamped = jnp.clip(count, 1.0, None)
    mean_agg = sum_agg / count_clamped[:, None]
    # 6. TRANSFORM: lin_l(mean_agg) + lin_r(x)
    out = mean_agg @ W_l.T + b_l + x @ W_r.T
    # 7. ACTIVATE: ReLU
    activated = jax.nn.relu(out)
    return activated

if __name__ == "__main__":
    import jax
    _d = setup_inputs()
    print(jax.jit(kernel)(*tuple(_d.values())))

</pallas_src>

<mosaic_0001>
#map = affine_map<(d0, d1) -> (0)>
#map1 = affine_map<(d0, d1) -> (0, 0)>
#map2 = affine_map<(d0, d1) -> (0, 0, 0)>
module attributes {stable_mosaic.version = 14 : i64} {
  func.func @sc_agg(%arg0: i32, %arg1: i32, %arg2: memref<320000xi32, #tpu.memory_space<hbm>>, %arg3: memref<320000xi32, #tpu.memory_space<hbm>>, %arg4: memref<10000x128xf32, #tpu.memory_space<hbm>>, %arg5: memref<2x10240x128xf32, #tpu.memory_space<hbm>>, %arg6: memref<2x16x10240xf32, #tpu.memory_space<hbm>>, %arg7: memref<10240x128xf32, #tpu.memory_space<vmem_shared>>, %arg8: memref<6x1x80xi32, #tpu.memory_space<vmem>>, %arg9: memref<6x1x80xi32, #tpu.memory_space<vmem>>, %arg10: memref<80x128xf32, #tpu.memory_space<vmem>>, %arg11: memref<80x128xf32, #tpu.memory_space<vmem>>, %arg12: memref<80x128xf32, #tpu.memory_space<vmem>>, %arg13: memref<10240xf32, #tpu.memory_space<vmem>>, %arg14: memref<!tpu.dma_semaphore, #tpu.memory_space<semaphore_mem>>, %arg15: memref<!tpu.dma_semaphore, #tpu.memory_space<semaphore_mem>>, %arg16: memref<!tpu.dma_semaphore, #tpu.memory_space<semaphore_mem>>, %arg17: memref<!tpu.dma_semaphore, #tpu.memory_space<semaphore_mem>>, %arg18: memref<!tpu.dma_semaphore, #tpu.memory_space<semaphore_mem>>, %arg19: memref<!tpu.dma_semaphore, #tpu.memory_space<semaphore_mem>>, %arg20: memref<!tpu.dma_semaphore, #tpu.memory_space<semaphore_mem>>, %arg21: memref<!tpu.dma_semaphore, #tpu.memory_space<semaphore_mem>>, %arg22: memref<!tpu.dma_semaphore, #tpu.memory_space<semaphore_mem>>, %arg23: memref<!tpu.dma_semaphore, #tpu.memory_space<semaphore_mem>>, %arg24: memref<!tpu.dma_semaphore, #tpu.memory_space<semaphore_mem>>, %arg25: memref<!tpu.dma_semaphore, #tpu.memory_space<semaphore_mem>>, %arg26: memref<!tpu.dma_semaphore, #tpu.memory_space<semaphore_mem>>) attributes {dimension_semantics = [#tpu.dimension_semantics<core_parallel>, #tpu.dimension_semantics<subcore_parallel>], iteration_bounds = array<i64: 2, 16>, scalar_prefetch = 0 : i64, scratch_operands = 20 : i64, tpu.core_type = #tpu.core_type<sc_vector_subcore>, window_params = [{transform_indices = #map}, {transform_indices = #map}, {transform_indices = #map1}, {transform_indices = #map2}, {transform_indices = #map2}]} {
    %scan3A = arith.constant 0 : i32
    %scan3A_0 = arith.constant 80 : i32
    %scan3A_1 = arith.addi %scan3A, %scan3A_0 : i32
    %scan3A_2 = arith.constant 1 : i32
    scf.for %scan3A_230 = %scan3A to %scan3A_1 step %scan3A_2  : i32 {
      %mul3A_231 = arith.constant 1 : i32
      %mul3A_232 = arith.muli %scan3A_230, %mul3A_231 : i32
      %add3A_233 = arith.constant 0 : i32
      %add3A_234 = arith.addi %add3A_233, %mul3A_232 : i32
      %scan3A_235 = arith.constant 0 : i32
      %scan3A_236 = arith.constant 8 : i32
      %scan3A_237 = arith.addi %scan3A_235, %scan3A_236 : i32
      %scan3A_238 = arith.constant 1 : i32
      scf.for %scan3A_240 = %scan3A_235 to %scan3A_237 step %scan3A_238  : i32 {
        %mul3A_241 = arith.constant 1 : i32
        %mul3A_242 = arith.muli %scan3A_240, %mul3A_241 : i32
        %add3A_243 = arith.constant 0 : i32
        %add3A_244 = arith.addi %add3A_243, %mul3A_242 : i32
        %broadcast_in_dim3A = arith.constant 0.000000e+00 : f32
        %broadcast_in_dim3A_245 = vector.broadcast %broadcast_in_dim3A : f32 to vector<16xf32>
        %mul3A_246 = arith.constant 16 : i32
        %mul3A_247 = arith.muli %add3A_244, %mul3A_246 : i32
        %swap3A = arith.index_cast %add3A_234 : i32 to index
        %swap3A_248 = arith.index_cast %mul3A_247 : i32 to index
        %swap3A_249 = tpu.vector_load %arg10[%swap3A, %swap3A_248] {strides = array<i32>} : memref<80x128xf32, #tpu.memory_space<vmem>>, vector<16xf32>,
        tpu.vector_store %arg10[%swap3A, %swap3A_248], %broadcast_in_dim3A_245 {strides = array<i32>} : memref<80x128xf32, #tpu.memory_space<vmem>>, vector<16xf32>,
      }
      %scan3A_239 = arith.constant 8 : i32
    }
    %scan3A_3 = arith.constant 80 : i32
    %scan3A_4 = arith.constant 0 : i32
    %scan3A_5 = arith.constant 640 : i32
    %scan3A_6 = arith.addi %scan3A_4, %scan3A_5 : i32
    %scan3A_7 = arith.constant 1 : i32
    scf.for %scan3A_230 = %scan3A_4 to %scan3A_6 step %scan3A_7  : i32 {
      %mul3A_231 = arith.constant 1 : i32
      %mul3A_232 = arith.muli %scan3A_230, %mul3A_231 : i32
      %add3A_233 = arith.constant 0 : i32
      %add3A_234 = arith.addi %add3A_233, %mul3A_232 : i32
      %broadcast_in_dim3A = arith.constant 0.000000e+00 : f32
      %broadcast_in_dim3A_235 = vector.broadcast %broadcast_in_dim3A : f32 to vector<16xf32>
      %mul3A_236 = arith.constant 16 : i32
      %mul3A_237 = arith.muli %add3A_234, %mul3A_236 : i32
      %swap3A = arith.index_cast %mul3A_237 : i32 to index
      %swap3A_238 = tpu.vector_load %arg13[%swap3A] {strides = array<i32>} : memref<10240xf32, #tpu.memory_space<vmem>>, vector<16xf32>,
      tpu.vector_store %arg13[%swap3A], %broadcast_in_dim3A_235 {strides = array<i32>} : memref<10240xf32, #tpu.memory_space<vmem>>, vector<16xf32>,
    }
    %scan3A_8 = arith.constant 640 : i32
    %mul3A = arith.constant 640 : i32
    %mul3A_9 = arith.muli %arg1, %mul3A : i32
    %scan3A_10 = arith.constant 0 : i32
    %scan3A_11 = arith.constant 8 : i32
    %scan3A_12 = arith.addi %scan3A_10, %scan3A_11 : i32
    %scan3A_13 = arith.constant 1 : i32
    scf.for %scan3A_230 = %scan3A_10 to %scan3A_12 step %scan3A_13  : i32 {
      %mul3A_231 = arith.constant 1 : i32
      %mul3A_232 = arith.muli %scan3A_230, %mul3A_231 : i32
      %add3A_233 = arith.constant 0 : i32
      %add3A_234 = arith.addi %add3A_233, %mul3A_232 : i32
      %mul3A_235 = arith.constant 80 : i32
      %mul3A_236 = arith.muli %add3A_234, %mul3A_235 : i32
      %add3A_237 = arith.addi %mul3A_9, %mul3A_236 : i32
      %dma_start3A_238 = arith.constant 0 : i32
      %dma_start3A_239 = tpu.memref_slice %arg7[%add3A_237, %dma_start3A_238] : memref<10240x128xf32, #tpu.memory_space<vmem_shared>> -> memref<80x128xf32, #tpu.memory_space<vmem_shared>>
      %dma_start3A_240 = arith.constant 0 : i32
      %dma_start3A_241 = tpu.memref_slice %arg7[%add3A_237, %dma_start3A_240] : memref<10240x128xf32, #tpu.memory_space<vmem_shared>> -> memref<80x128xf32, #tpu.memory_space<vmem_shared>>
      tpu.enqueue_dma source(%arg10 : memref<80x128xf32, #tpu.memory_space<vmem>>) target(%dma_start3A_241 : memref<80x128xf32, #tpu.memory_space<vmem_shared>>) target_semaphore(%arg26 : memref<!tpu.dma_semaphore, #tpu.memory_space<semaphore_mem>>)
    }
    %scan3A_14 = arith.constant 8 : i32
    %mul3A_15 = arith.constant 16 : i32
    %mul3A_16 = arith.muli %arg0, %mul3A_15 : i32
    %add3A = arith.addi %mul3A_16, %arg1 : i32
    %mul3A_17 = arith.constant 10000 : i32
    %mul3A_18 = arith.muli %add3A, %mul3A_17 : i32
    %add3A_19 = arith.constant 0 : i32
    %add3A_20 = arith.addi %mul3A_18, %add3A_19 : i32
    %dma_start3A = arith.constant 0 : i32
    %dma_start3A_21 = arith.constant 0 : i32
    %dma_start3A_22 = arith.constant 0 : i32
    %dma_start3A_23 = tpu.memref_slice %arg8[%dma_start3A, %dma_start3A_21, %dma_start3A_22] : memref<6x1x80xi32, #tpu.memory_space<vmem>> -> memref<1x1x80xi32, #tpu.memory_space<vmem>>
    %dma_start3A_24 = tpu.memref_squeeze %dma_start3A_23 : memref<1x1x80xi32, #tpu.memory_space<vmem>> -> memref<80xi32, #tpu.memory_space<vmem>>
    %dma_start3A_25 = tpu.memref_slice %arg2[%add3A_20] : memref<320000xi32, #tpu.memory_space<hbm>> -> memref<80xi32, #tpu.memory_space<hbm>>
    %dma_start3A_26 = arith.constant 0 : i32
    %dma_start3A_27 = tpu.memref_slice %arg8[%dma_start3A, %dma_start3A_21, %dma_start3A_26] : memref<6x1x80xi32, #tpu.memory_space<vmem>> -> memref<1x1x80xi32, #tpu.memory_space<vmem>>
    %dma_start3A_28 = tpu.memref_squeeze %dma_start3A_27 : memref<1x1x80xi32, #tpu.memory_space<vmem>> -> memref<80xi32, #tpu.memory_space<vmem>>
    %dma_start3A_29 = tpu.memref_slice %arg2[%add3A_20] : memref<320000xi32, #tpu.memory_space<hbm>> -> memref<80xi32, #tpu.memory_space<hbm>>
    tpu.enqueue_dma source(%dma_start3A_29 : memref<80xi32, #tpu.memory_space<hbm>>) target(%dma_start3A_28 : memref<80xi32, #tpu.memory_space<vmem>>) target_semaphore(%arg20 : memref<!tpu.dma_semaphore, #tpu.memory_space<semaphore_mem>>)
    %dma_start3A_30 = arith.constant 0 : i32
    %dma_start3A_31 = arith.constant 0 : i32
    %dma_start3A_32 = arith.constant 0 : i32
    %dma_start3A_33 = tpu.memref_slice %arg9[%dma_start3A_30, %dma_start3A_31, %dma_start3A_32] : memref<6x1x80xi32, #tpu.memory_space<vmem>> -> memref<1x1x80xi32, #tpu.memory_space<vmem>>
    %dma_start3A_34 = tpu.memref_squeeze %dma_start3A_33 : memref<1x1x80xi32, #tpu.memory_space<vmem>> -> memref<80xi32, #tpu.memory_space<vmem>>
    %dma_start3A_35 = tpu.memref_slice %arg3[%add3A_20] : memref<320000xi32, #tpu.memory_space<hbm>> -> memref<80xi32, #tpu.memory_space<hbm>>
    %dma_start3A_36 = arith.constant 0 : i32
    %dma_start3A_37 = tpu.memref_slice %arg9[%dma_start3A_30, %dma_start3A_31, %dma_start3A_36] : memref<6x1x80xi32, #tpu.memory_space<vmem>> -> memref<1x1x80xi32, #tpu.memory_space<vmem>>
    %dma_start3A_38 = tpu.memref_squeeze %dma_start3A_37 : memref<1x1x80xi32, #tpu.memory_space<vmem>> -> memref<80xi32, #tpu.memory_space<vmem>>
    %dma_start3A_39 = tpu.memref_slice %arg3[%add3A_20] : memref<320000xi32, #tpu.memory_space<hbm>> -> memref<80xi32, #tpu.memory_space<hbm>>
    tpu.enqueue_dma source(%dma_start3A_39 : memref<80xi32, #tpu.memory_space<hbm>>) target(%dma_start3A_38 : memref<80xi32, #tpu.memory_space<vmem>>) target_semaphore(%arg20 : memref<!tpu.dma_semaphore, #tpu.memory_space<semaphore_mem>>)
    %add3A_40 = arith.constant 80 : i32
    %add3A_41 = arith.addi %mul3A_18, %add3A_40 : i32
    %dma_start3A_42 = arith.constant 1 : i32
    %dma_start3A_43 = arith.constant 0 : i32
    %dma_start3A_44 = arith.constant 0 : i32
    %dma_start3A_45 = tpu.memref_slice %arg8[%dma_start3A_42, %dma_start3A_43, %dma_start3A_44] : memref<6x1x80xi32, #tpu.memory_space<vmem>> -> memref<1x1x80xi32, #tpu.memory_space<vmem>>
    %dma_start3A_46 = tpu.memref_squeeze %dma_start3A_45 : memref<1x1x80xi32, #tpu.memory_space<vmem>> -> memref<80xi32, #tpu.memory_space<vmem>>
    %dma_start3A_47 = tpu.memref_slice %arg2[%add3A_41] : memref<320000xi32, #tpu.memory_space<hbm>> -> memref<80xi32, #tpu.memory_space<hbm>>
    %dma_start3A_48 = arith.constant 0 : i32
    %dma_start3A_49 = tpu.memref_slice %arg8[%dma_start3A_42, %dma_start3A_43, %dma_start3A_48] : memref<6x1x80xi32, #tpu.memory_space<vmem>> -> memref<1x1x80xi32, #tpu.memory_space<vmem>>
    %dma_start3A_50 = tpu.memref_squeeze %dma_start3A_49 : memref<1x1x80xi32, #tpu.memory_space<vmem>> -> memref<80xi32, #tpu.memory_space<vmem>>
    %dma_start3A_51 = tpu.memref_slice %arg2[%add3A_41] : memref<320000xi32, #tpu.memory_space<hbm>> -> memref<80xi32, #tpu.memory_space<hbm>>
    tpu.enqueue_dma source(%dma_start3A_51 : memref<80xi32, #tpu.memory_space<hbm>>) target(%dma_start3A_50 : memref<80xi32, #tpu.memory_space<vmem>>) target_semaphore(%arg21 : memref<!tpu.dma_semaphore, #tpu.memory_space<semaphore_mem>>)
    %dma_start3A_52 = arith.constant 1 : i32
    %dma_start3A_53 = arith.constant 0 : i32
    %dma_start3A_54 = arith.constant 0 : i32
    %dma_start3A_55 = tpu.memref_slice %arg9[%dma_start3A_52, %dma_start3A_53, %dma_start3A_54] : memref<6x1x80xi32, #tpu.memory_space<vmem>> -> memref<1x1x80xi32, #tpu.memory_space<vmem>>
    %dma_start3A_56 = tpu.memref_squeeze %dma_start3A_55 : memref<1x1x80xi32, #tpu.memory_space<vmem>> -> memref<80xi32, #tpu.memory_space<vmem>>
    %dma_start3A_57 = tpu.memref_slice %arg3[%add3A_41] : memref<320000xi32, #tpu.memory_space<hbm>> -> memref<80xi32, #tpu.memory_space<hbm>>
    %dma_start3A_58 = arith.constant 0 : i32
    %dma_start3A_59 = tpu.memref_slice %arg9[%dma_start3A_52, %dma_start3A_53, %dma_start3A_58] : memref<6x1x80xi32, #tpu.memory_space<vmem>> -> memref<1x1x80xi32, #tpu.memory_space<vmem>>
    %dma_start3A_60 = tpu.memref_squeeze %dma_start3A_59 : memref<1x1x80xi32, #tpu.memory_space<vmem>> -> memref<80xi32, #tpu.memory_space<vmem>>
    %dma_start3A_61 = tpu.memref_slice %arg3[%add3A_41] : memref<320000xi32, #tpu.memory_space<hbm>> -> memref<80xi32, #tpu.memory_space<hbm>>
    tpu.enqueue_dma source(%dma_start3A_61 : memref<80xi32, #tpu.memory_space<hbm>>) target(%dma_start3A_60 : memref<80xi32, #tpu.memory_space<vmem>>) target_semaphore(%arg21 : memref<!tpu.dma_semaphore, #tpu.memory_space<semaphore_mem>>)
    %add3A_62 = arith.constant 160 : i32
    %add3A_63 = arith.addi %mul3A_18, %add3A_62 : i32
    %dma_start3A_64 = arith.constant 2 : i32
    %dma_start3A_65 = arith.constant 0 : i32
    %dma_start3A_66 = arith.constant 0 : i32
    %dma_start3A_67 = tpu.memref_slice %arg8[%dma_start3A_64, %dma_start3A_65, %dma_start3A_66] : memref<6x1x80xi32, #tpu.memory_space<vmem>> -> memref<1x1x80xi32, #tpu.memory_space<vmem>>
    %dma_start3A_68 = tpu.memref_squeeze %dma_start3A_67 : memref<1x1x80xi32, #tpu.memory_space<vmem>> -> memref<80xi32, #tpu.memory_space<vmem>>
    %dma_start3A_69 = tpu.memref_slice %arg2[%add3A_63] : memref<320000xi32, #tpu.memory_space<hbm>> -> memref<80xi32, #tpu.memory_space<hbm>>
    %dma_start3A_70 = arith.constant 0 : i32
    %dma_start3A_71 = tpu.memref_slice %arg8[%dma_start3A_64, %dma_start3A_65, %dma_start3A_70] : memref<6x1x80xi32, #tpu.memory_space<vmem>> -> memref<1x1x80xi32, #tpu.memory_space<vmem>>
    %dma_start3A_72 = tpu.memref_squeeze %dma_start3A_71 : memref<1x1x80xi32, #tpu.memory_space<vmem>> -> memref<80xi32, #tpu.memory_space<vmem>>
    %dma_start3A_73 = tpu.memref_slice %arg2[%add3A_63] : memref<320000xi32, #tpu.memory_space<hbm>> -> memref<80xi32, #tpu.memory_space<hbm>>
    tpu.enqueue_dma source(%dma_start3A_73 : memref<80xi32, #tpu.memory_space<hbm>>) target(%dma_start3A_72 : memref<80xi32, #tpu.memory_space<vmem>>) target_semaphore(%arg22 : memref<!tpu.dma_semaphore, #tpu.memory_space<semaphore_mem>>)
    %dma_start3A_74 = arith.constant 2 : i32
    %dma_start3A_75 = arith.constant 0 : i32
    %dma_start3A_76 = arith.constant 0 : i32
    %dma_start3A_77 = tpu.memref_slice %arg9[%dma_start3A_74, %dma_start3A_75, %dma_start3A_76] : memref<6x1x80xi32, #tpu.memory_space<vmem>> -> memref<1x1x80xi32, #tpu.memory_space<vmem>>
    %dma_start3A_78 = tpu.memref_squeeze %dma_start3A_77 : memref<1x1x80xi32, #tpu.memory_space<vmem>> -> memref<80xi32, #tpu.memory_space<vmem>>
    %dma_start3A_79 = tpu.memref_slice %arg3[%add3A_63] : memref<320000xi32, #tpu.memory_space<hbm>> -> memref<80xi32, #tpu.memory_space<hbm>>
    %dma_start3A_80 = arith.constant 0 : i32
    %dma_start3A_81 = tpu.memref_slice %arg9[%dma_start3A_74, %dma_start3A_75, %dma_start3A_80] : memref<6x1x80xi32, #tpu.memory_space<vmem>> -> memref<1x1x80xi32, #tpu.memory_space<vmem>>
    %dma_start3A_82 = tpu.memref_squeeze %dma_start3A_81 : memref<1x1x80xi32, #tpu.memory_space<vmem>> -> memref<80xi32, #tpu.memory_space<vmem>>
    %dma_start3A_83 = tpu.memref_slice %arg3[%add3A_63] : memref<320000xi32, #tpu.memory_space<hbm>> -> memref<80xi32, #tpu.memory_space<hbm>>
    tpu.enqueue_dma source(%dma_start3A_83 : memref<80xi32, #tpu.memory_space<hbm>>) target(%dma_start3A_82 : memref<80xi32, #tpu.memory_space<vmem>>) target_semaphore(%arg22 : memref<!tpu.dma_semaphore, #tpu.memory_space<semaphore_mem>>)
    %add3A_84 = arith.constant 240 : i32
    %add3A_85 = arith.addi %mul3A_18, %add3A_84 : i32
    %dma_start3A_86 = arith.constant 3 : i32
    %dma_start3A_87 = arith.constant 0 : i32
    %dma_start3A_88 = arith.constant 0 : i32
    %dma_start3A_89 = tpu.memref_slice %arg8[%dma_start3A_86, %dma_start3A_87, %dma_start3A_88] : memref<6x1x80xi32, #tpu.memory_space<vmem>> -> memref<1x1x80xi32, #tpu.memory_space<vmem>>
    %dma_start3A_90 = tpu.memref_squeeze %dma_start3A_89 : memref<1x1x80xi32, #tpu.memory_space<vmem>> -> memref<80xi32, #tpu.memory_space<vmem>>
    %dma_start3A_91 = tpu.memref_slice %arg2[%add3A_85] : memref<320000xi32, #tpu.memory_space<hbm>> -> memref<80xi32, #tpu.memory_space<hbm>>
    %dma_start3A_92 = arith.constant 0 : i32
    %dma_start3A_93 = tpu.memref_slice %arg8[%dma_start3A_86, %dma_start3A_87, %dma_start3A_92] : memref<6x1x80xi32, #tpu.memory_space<vmem>> -> memref<1x1x80xi32, #tpu.memory_space<vmem>>
    %dma_start3A_94 = tpu.memref_squeeze %dma_start3A_93 : memref<1x1x80xi32, #tpu.memory_space<vmem>> -> memref<80xi32, #tpu.memory_space<vmem>>
    %dma_start3A_95 = tpu.memref_slice %arg2[%add3A_85] : memref<320000xi32, #tpu.memory_space<hbm>> -> memref<80xi32, #tpu.memory_space<hbm>>
    tpu.enqueue_dma source(%dma_start3A_95 : memref<80xi32, #tpu.memory_space<hbm>>) target(%dma_start3A_94 : memref<80xi32, #tpu.memory_space<vmem>>) target_semaphore(%arg23 : memref<!tpu.dma_semaphore, #tpu.memory_space<semaphore_mem>>)
    %dma_start3A_96 = arith.constant 3 : i32
    %dma_start3A_97 = arith.constant 0 : i32
    %dma_start3A_98 = arith.constant 0 : i32
    %dma_start3A_99 = tpu.memref_slice %arg9[%dma_start3A_96, %dma_start3A_97, %dma_start3A_98] : memref<6x1x80xi32, #tpu.memory_space<vmem>> -> memref<1x1x80xi32, #tpu.memory_space<vmem>>
    %dma_start3A_100 = tpu.memref_squeeze %dma_start3A_99 : memref<1x1x80xi32, #tpu.memory_space<vmem>> -> memref<80xi32, #tpu.memory_space<vmem>>
    %dma_start3A_101 = tpu.memref_slice %arg3[%add3A_85] : memref<320000xi32, #tpu.memory_space<hbm>> -> memref<80xi32, #tpu.memory_space<hbm>>
    %dma_start3A_102 = arith.constant 0 : i32
    %dma_start3A_103 = tpu.memref_slice %arg9[%dma_start3A_96, %dma_start3A_97, %dma_start3A_102] : memref<6x1x80xi32, #tpu.memory_space<vmem>> -> memref<1x1x80xi32, #tpu.memory_space<vmem>>
    %dma_start3A_104 = tpu.memref_squeeze %dma_start3A_103 : memref<1x1x80xi32, #tpu.memory_space<vmem>> -> memref<80xi32, #tpu.memory_space<vmem>>
    %dma_start3A_105 = tpu.memref_slice %arg3[%add3A_85] : memref<320000xi32, #tpu.memory_space<hbm>> -> memref<80xi32, #tpu.memory_space<hbm>>
    tpu.enqueue_dma source(%dma_start3A_105 : memref<80xi32, #tpu.memory_space<hbm>>) target(%dma_start3A_104 : memref<80xi32, #tpu.memory_space<vmem>>) target_semaphore(%arg23 : memref<!tpu.dma_semaphore, #tpu.memory_space<semaphore_mem>>)
    %add3A_106 = arith.constant 320 : i32
    %add3A_107 = arith.addi %mul3A_18, %add3A_106 : i32
    %dma_start3A_108 = arith.constant 4 : i32
    %dma_start3A_109 = arith.constant 0 : i32
    %dma_start3A_110 = arith.constant 0 : i32
    %dma_start3A_111 = tpu.memref_slice %arg8[%dma_start3A_108, %dma_start3A_109, %dma_start3A_110] : memref<6x1x80xi32, #tpu.memory_space<vmem>> -> memref<1x1x80xi32, #tpu.memory_space<vmem>>
    %dma_start3A_112 = tpu.memref_squeeze %dma_start3A_111 : memref<1x1x80xi32, #tpu.memory_space<vmem>> -> memref<80xi32, #tpu.memory_space<vmem>>
    %dma_start3A_113 = tpu.memref_slice %arg2[%add3A_107] : memref<320000xi32, #tpu.memory_space<hbm>> -> memref<80xi32, #tpu.memory_space<hbm>>
    %dma_start3A_114 = arith.constant 0 : i32
    %dma_start3A_115 = tpu.memref_slice %arg8[%dma_start3A_108, %dma_start3A_109, %dma_start3A_114] : memref<6x1x80xi32, #tpu.memory_space<vmem>> -> memref<1x1x80xi32, #tpu.memory_space<vmem>>
    %dma_start3A_116 = tpu.memref_squeeze %dma_start3A_115 : memref<1x1x80xi32, #tpu.memory_space<vmem>> -> memref<80xi32, #tpu.memory_space<vmem>>
    %dma_start3A_117 = tpu.memref_slice %arg2[%add3A_107] : memref<320000xi32, #tpu.memory_space<hbm>> -> memref<80xi32, #tpu.memory_space<hbm>>
    tpu.enqueue_dma source(%dma_start3A_117 : memref<80xi32, #tpu.memory_space<hbm>>) target(%dma_start3A_116 : memref<80xi32, #tpu.memory_space<vmem>>) target_semaphore(%arg24 : memref<!tpu.dma_semaphore, #tpu.memory_space<semaphore_mem>>)
    %dma_start3A_118 = arith.constant 4 : i32
    %dma_start3A_119 = arith.constant 0 : i32
    %dma_start3A_120 = arith.constant 0 : i32
    %dma_start3A_121 = tpu.memref_slice %arg9[%dma_start3A_118, %dma_start3A_119, %dma_start3A_120] : memref<6x1x80xi32, #tpu.memory_space<vmem>> -> memref<1x1x80xi32, #tpu.memory_space<vmem>>
    %dma_start3A_122 = tpu.memref_squeeze %dma_start3A_121 : memref<1x1x80xi32, #tpu.memory_space<vmem>> -> memref<80xi32, #tpu.memory_space<vmem>>
    %dma_start3A_123 = tpu.memref_slice %arg3[%add3A_107] : memref<320000xi32, #tpu.memory_space<hbm>> -> memref<80xi32, #tpu.memory_space<hbm>>
    %dma_start3A_124 = arith.constant 0 : i32
    %dma_start3A_125 = tpu.memref_slice %arg9[%dma_start3A_118, %dma_start3A_119, %dma_start3A_124] : memref<6x1x80xi32, #tpu.memory_space<vmem>> -> memref<1x1x80xi32, #tpu.memory_space<vmem>>
    %dma_start3A_126 = tpu.memref_squeeze %dma_start3A_125 : memref<1x1x80xi32, #tpu.memory_space<vmem>> -> memref<80xi32, #tpu.memory_space<vmem>>
    %dma_start3A_127 = tpu.memref_slice %arg3[%add3A_107] : memref<320000xi32, #tpu.memory_space<hbm>> -> memref<80xi32, #tpu.memory_space<hbm>>
    tpu.enqueue_dma source(%dma_start3A_127 : memref<80xi32, #tpu.memory_space<hbm>>) target(%dma_start3A_126 : memref<80xi32, #tpu.memory_space<vmem>>) target_semaphore(%arg24 : memref<!tpu.dma_semaphore, #tpu.memory_space<semaphore_mem>>)
    %scan3A_128 = arith.constant 0 : i32
    %scan3A_129 = arith.constant 8 : i32
    %scan3A_130 = arith.addi %scan3A_128, %scan3A_129 : i32
    %scan3A_131 = arith.constant 1 : i32
    scf.for %scan3A_230 = %scan3A_128 to %scan3A_130 step %scan3A_131  : i32 {
      %mul3A_231 = arith.constant 1 : i32
      %mul3A_232 = arith.muli %scan3A_230, %mul3A_231 : i32
      %add3A_233 = arith.constant 0 : i32
      %add3A_234 = arith.addi %add3A_233, %mul3A_232 : i32
      %dma_wait3A_235 = arith.constant 0 : i32
      %dma_wait3A_236 = tpu.memref_slice %arg7[%mul3A_9, %dma_wait3A_235] : memref<10240x128xf32, #tpu.memory_space<vmem_shared>> -> memref<80x128xf32, #tpu.memory_space<vmem_shared>>
      %dma_wait3A_237 = arith.constant 0 : i32
      %dma_wait3A_238 = tpu.memref_slice %arg7[%mul3A_9, %dma_wait3A_237] : memref<10240x128xf32, #tpu.memory_space<vmem_shared>> -> memref<80x128xf32, #tpu.memory_space<vmem_shared>>
      tpu.wait_dma2 semaphore(%arg26 : memref<!tpu.dma_semaphore, #tpu.memory_space<semaphore_mem>>) src(%arg10 : memref<80x128xf32, #tpu.memory_space<vmem>>) dst(%dma_wait3A_238 : memref<80x128xf32, #tpu.memory_space<vmem_shared>>)
    }
    %scan3A_132 = arith.constant 8 : i32
    %dma_wait3A = arith.constant 0 : i32
    %dma_wait3A_133 = arith.constant 0 : i32
    %dma_wait3A_134 = arith.constant 0 : i32
    %dma_wait3A_135 = tpu.memref_slice %arg8[%dma_wait3A, %dma_wait3A_133, %dma_wait3A_134] : memref<6x1x80xi32, #tpu.memory_space<vmem>> -> memref<1x1x80xi32, #tpu.memory_space<vmem>>
    %dma_wait3A_136 = tpu.memref_squeeze %dma_wait3A_135 : memref<1x1x80xi32, #tpu.memory_space<vmem>> -> memref<80xi32, #tpu.memory_space<vmem>>
    %dma_wait3A_137 = arith.constant 0 : i32
    %dma_wait3A_138 = tpu.memref_slice %arg2[%dma_wait3A_137] : memref<320000xi32, #tpu.memory_space<hbm>> -> memref<80xi32, #tpu.memory_space<hbm>>
    %dma_wait3A_139 = arith.constant 0 : i32
    %dma_wait3A_140 = tpu.memref_slice %arg8[%dma_wait3A, %dma_wait3A_133, %dma_wait3A_139] : memref<6x1x80xi32, #tpu.memory_space<vmem>> -> memref<1x1x80xi32, #tpu.memory_space<vmem>>
    %dma_wait3A_141 = tpu.memref_squeeze %dma_wait3A_140 : memref<1x1x80xi32, #tpu.memory_space<vmem>> -> memref<80xi32, #tpu.memory_space<vmem>>
    %dma_wait3A_142 = arith.constant 0 : i32
    %dma_wait3A_143 = tpu.memref_slice %arg2[%dma_wait3A_142] : memref<320000xi32, #tpu.memory_space<hbm>> -> memref<80xi32, #tpu.memory_space<hbm>>
    tpu.wait_dma2 semaphore(%arg20 : memref<!tpu.dma_semaphore, #tpu.memory_space<semaphore_mem>>) src(%dma_wait3A_143 : memref<80xi32, #tpu.memory_space<hbm>>) dst(%dma_wait3A_141 : memref<80xi32, #tpu.memory_space<vmem>>)
    %dma_wait3A_144 = arith.constant 0 : i32
    %dma_wait3A_145 = arith.constant 0 : i32
    %dma_wait3A_146 = arith.constant 0 : i32
    %dma_wait3A_147 = tpu.memref_slice %arg9[%dma_wait3A_144, %dma_wait3A_145, %dma_wait3A_146] : memref<6x1x80xi32, #tpu.memory_space<vmem>> -> memref<1x1x80xi32, #tpu.memory_space<vmem>>
    %dma_wait3A_148 = tpu.memref_squeeze %dma_wait3A_147 : memref<1x1x80xi32, #tpu.memory_space<vmem>> -> memref<80xi32, #tpu.memory_space<vmem>>
    %dma_wait3A_149 = arith.constant 0 : i32
    %dma_wait3A_150 = tpu.memref_slice %arg3[%dma_wait3A_149] : memref<320000xi32, #tpu.memory_space<hbm>> -> memref<80xi32, #tpu.memory_space<hbm>>
    %dma_wait3A_151 = arith.constant 0 : i32
    %dma_wait3A_152 = tpu.memref_slice %arg9[%dma_wait3A_144, %dma_wait3A_145, %dma_wait3A_151] : memref<6x1x80xi32, #tpu.memory_space<vmem>> -> memref<1x1x80xi32, #tpu.memory_space<vmem>>
    %dma_wait3A_153 = tpu.memref_squeeze %dma_wait3A_152 : memref<1x1x80xi32, #tpu.memory_space<vmem>> -> memref<80xi32, #tpu.memory_space<vmem>>
    %dma_wait3A_154 = arith.constant 0 : i32
    %dma_wait3A_155 = tpu.memref_slice %arg3[%dma_wait3A_154] : memref<320000xi32, #tpu.memory_space<hbm>> -> memref<80xi32, #tpu.memory_space<hbm>>
    tpu.wait_dma2 semaphore(%arg20 : memref<!tpu.dma_semaphore, #tpu.memory_space<semaphore_mem>>) src(%dma_wait3A_155 : memref<80xi32, #tpu.memory_space<hbm>>) dst(%dma_wait3A_153 : memref<80xi32, #tpu.memory_space<vmem>>)
    %dma_start3A_156 = arith.constant 0 : i32
    %dma_start3A_157 = arith.constant 0 : i32
    %dma_start3A_158 = arith.constant 0 : i32
    %dma_start3A_159 = tpu.memref_slice %arg8[%dma_start3A_156, %dma_start3A_157, %dma_start3A_158] : memref<6x1x80xi32, #tpu.memory_space<vmem>> -> memref<1x1x80xi32, #tpu.memory_space<vmem>>
    %dma_start3A_160 = tpu.memref_squeeze %dma_start3A_159 : memref<1x1x80xi32, #tpu.memory_space<vmem>> -> memref<80xi32, #tpu.memory_space<vmem>>
    %dma_start3A_161 = arith.constant 0 : i32
    %dma_start3A_162 = arith.constant 0 : i32
    %dma_start3A_163 = tpu.memref_slice %arg4[%dma_start3A_161, %dma_start3A_162] : memref<10000x128xf32, #tpu.memory_space<hbm>> -> memref<10000x128xf32, #tpu.memory_space<hbm>>
    tpu.enqueue_indirect_dma source(%dma_start3A_163 : memref<10000x128xf32, #tpu.memory_space<hbm>>) target(%arg10 : memref<80x128xf32, #tpu.memory_space<vmem>>) offsets(%dma_start3A_160 : memref<80xi32, #tpu.memory_space<vmem>>) semaphore(%arg14 : memref<!tpu.dma_semaphore, #tpu.memory_space<semaphore_mem>>)
    %dma_wait3A_164 = arith.constant 1 : i32
    %dma_wait3A_165 = arith.constant 0 : i32
    %dma_wait3A_166 = arith.constant 0 : i32
    %dma_wait3A_167 = tpu.memref_slice %arg8[%dma_wait3A_164, %dma_wait3A_165, %dma_wait3A_166] : memref<6x1x80xi32, #tpu.memory_space<vmem>> -> memref<1x1x80xi32, #tpu.memory_space<vmem>>
    %dma_wait3A_168 = tpu.memref_squeeze %dma_wait3A_167 : memref<1x1x80xi32, #tpu.memory_space<vmem>> -> memref<80xi32, #tpu.memory_space<vmem>>
    %dma_wait3A_169 = arith.constant 0 : i32
    %dma_wait3A_170 = tpu.memref_slice %arg2[%dma_wait3A_169] : memref<320000xi32, #tpu.memory_space<hbm>> -> memref<80xi32, #tpu.memory_space<hbm>>
    %dma_wait3A_171 = arith.constant 0 : i32
    %dma_wait3A_172 = tpu.memref_slice %arg8[%dma_wait3A_164, %dma_wait3A_165, %dma_wait3A_171] : memref<6x1x80xi32, #tpu.memory_space<vmem>> -> memref<1x1x80xi32, #tpu.memory_space<vmem>>
    %dma_wait3A_173 = tpu.memref_squeeze %dma_wait3A_172 : memref<1x1x80xi32, #tpu.memory_space<vmem>> -> memref<80xi32, #tpu.memory_space<vmem>>
    %dma_wait3A_174 = arith.constant 0 : i32
    %dma_wait3A_175 = tpu.memref_slice %arg2[%dma_wait3A_174] : memref<320000xi32, #tpu.memory_space<hbm>> -> memref<80xi32, #tpu.memory_space<hbm>>
    tpu.wait_dma2 semaphore(%arg21 : memref<!tpu.dma_semaphore, #tpu.memory_space<semaphore_mem>>) src(%dma_wait3A_175 : memref<80xi32, #tpu.memory_space<hbm>>) dst(%dma_wait3A_173 : memref<80xi32, #tpu.memory_space<vmem>>)
    %dma_wait3A_176 = arith.constant 1 : i32
    %dma_wait3A_177 = arith.constant 0 : i32
    %dma_wait3A_178 = arith.constant 0 : i32
    %dma_wait3A_179 = tpu.memref_slice %arg9[%dma_wait3A_176, %dma_wait3A_177, %dma_wait3A_178] : memref<6x1x80xi32, #tpu.memory_space<vmem>> -> memref<1x1x80xi32, #tpu.memory_space<vmem>>
    %dma_wait3A_180 = tpu.memref_squeeze %dma_wait3A_179 : memref<1x1x80xi32, #tpu.memory_space<vmem>> -> memref<80xi32, #tpu.memory_space<vmem>>
    %dma_wait3A_181 = arith.constant 0 : i32
    %dma_wait3A_182 = tpu.memref_slice %arg3[%dma_wait3A_181] : memref<320000xi32, #tpu.memory_space<hbm>> -> memref<80xi32, #tpu.memory_space<hbm>>
    %dma_wait3A_183 = arith.constant 0 : i32
    %dma_wait3A_184 = tpu.memref_slice %arg9[%dma_wait3A_176, %dma_wait3A_177, %dma_wait3A_183] : memref<6x1x80xi32, #tpu.memory_space<vmem>> -> memref<1x1x80xi32, #tpu.memory_space<vmem>>
    %dma_wait3A_185 = tpu.memref_squeeze %dma_wait3A_184 : memref<1x1x80xi32, #tpu.memory_space<vmem>> -> memref<80xi32, #tpu.memory_space<vmem>>
    %dma_wait3A_186 = arith.constant 0 : i32
    %dma_wait3A_187 = tpu.memref_slice %arg3[%dma_wait3A_186] : memref<320000xi32, #tpu.memory_space<hbm>> -> memref<80xi32, #tpu.memory_space<hbm>>
    tpu.wait_dma2 semaphore(%arg21 : memref<!tpu.dma_semaphore, #tpu.memory_space<semaphore_mem>>) src(%dma_wait3A_187 : memref<80xi32, #tpu.memory_space<hbm>>) dst(%dma_wait3A_185 : memref<80xi32, #tpu.memory_space<vmem>>)
    %dma_start3A_188 = arith.constant 1 : i32
    %dma_start3A_189 = arith.constant 0 : i32
    %dma_start3A_190 = arith.constant 0 : i32
    %dma_start3A_191 = tpu.memref_slice %arg8[%dma_start3A_188, %dma_start3A_189, %dma_start3A_190] : memref<6x1x80xi32, #tpu.memory_space<vmem>> -> memref<1x1x80xi32, #tpu.memory_space<vmem>>
    %dma_start3A_192 = tpu.memref_squeeze %dma_start3A_191 : memref<1x1x80xi32, #tpu.memory_space<vmem>> -> memref<80xi32, #tpu.memory_space<vmem>>
    %dma_start3A_193 = arith.constant 0 : i32
    %dma_start3A_194 = arith.constant 0 : i32
    %dma_start3A_195 = tpu.memref_slice %arg4[%dma_start3A_193, %dma_start3A_194] : memref<10000x128xf32, #tpu.memory_space<hbm>> -> memref<10000x128xf32, #tpu.memory_space<hbm>>
    tpu.enqueue_indirect_dma source(%dma_start3A_195 : memref<10000x128xf32, #tpu.memory_space<hbm>>) target(%arg11 : memref<80x128xf32, #tpu.memory_space<vmem>>) offsets(%dma_start3A_192 : memref<80xi32, #tpu.memory_space<vmem>>) semaphore(%arg15 : memref<!tpu.dma_semaphore, #tpu.memory_space<semaphore_mem>>)
    %barrier3A = arith.constant 0 : index
    tpu.barrier barrier_id(%barrier3A)
    %scan3A_196 = arith.constant 0 : i32
    %scan3A_197 = arith.constant 21 : i32
    %scan3A_198 = arith.addi %scan3A_196, %scan3A_197 : i32
    %scan3A_199 = arith.constant 1 : i32
    scf.for %scan3A_230 = %scan3A_196 to %scan3A_198 step %scan3A_199  : i32 {
      %mul3A_231 = arith.constant 1 : i32
      %mul3A_232 = arith.muli %scan3A_230, %mul3A_231 : i32
      %add3A_233 = arith.constant 0 : i32
      %add3A_234 = arith.addi %add3A_233, %mul3A_232 : i32
      %mul3A_235 = arith.constant 6 : i32
      %mul3A_236 = arith.muli %add3A_234, %mul3A_235 : i32
      %add3A_237 = arith.constant 0 : i32
      %add3A_238 = arith.addi %mul3A_236, %add3A_237 : i32
      %ge3A = arith.constant 1 : i32
      %ge3A_239 = arith.cmpi sge, %add3A_238, %ge3A : i32
      %le3A = arith.constant 125 : i32
      %le3A_240 = arith.cmpi sle, %add3A_238, %le3A : i32
      %and3A = arith.andi %ge3A_239, %le3A_240 : i1
      %convert_element_type3A = arith.extui %and3A : i1 to i32
      %cond3A = arith.constant 0 : i32
      %cond3A_241 = arith.cmpi ne, %convert_element_type3A, %cond3A : i32
      scf.if %cond3A_241 {
        %dma_wait3A_415 = arith.constant 5 : i32
        %dma_wait3A_416 = arith.constant 0 : i32
        %dma_wait3A_417 = arith.constant 0 : i32
        %dma_wait3A_418 = tpu.memref_slice %arg9[%dma_wait3A_415, %dma_wait3A_416, %dma_wait3A_417] : memref<6x1x80xi32, #tpu.memory_space<vmem>> -> memref<1x1x80xi32, #tpu.memory_space<vmem>>
        %dma_wait3A_419 = tpu.memref_squeeze %dma_wait3A_418 : memref<1x1x80xi32, #tpu.memory_space<vmem>> -> memref<80xi32, #tpu.memory_space<vmem>>
        %dma_wait3A_420 = arith.constant 0 : i32
        %dma_wait3A_421 = arith.constant 0 : i32
        %dma_wait3A_422 = tpu.memref_slice %arg7[%dma_wait3A_420, %dma_wait3A_421] : memref<10240x128xf32, #tpu.memory_space<vmem_shared>> -> memref<10240x128xf32, #tpu.memory_space<vmem_shared>>
        tpu.wait_indirect_dma semaphore(%arg19 : memref<!tpu.dma_semaphore, #tpu.memory_space<semaphore_mem>>) src(%arg12 : memref<80x128xf32, #tpu.memory_space<vmem>>) dst(%dma_wait3A_422 : memref<10240x128xf32, #tpu.memory_space<vmem_shared>>)
      } else {
      }
      %lt3A = arith.constant 125 : i32
      %lt3A_242 = arith.cmpi slt, %add3A_238, %lt3A : i32
      %convert_element_type3A_243 = arith.extui %lt3A_242 : i1 to i32
      %cond3A_244 = arith.constant 0 : i32
      %cond3A_245 = arith.cmpi ne, %convert_element_type3A_243, %cond3A_244 : i32
      scf.if %cond3A_245 {
        %dma_wait3A_415 = arith.constant 0 : i32
        %dma_wait3A_416 = arith.constant 0 : i32
        %dma_wait3A_417 = arith.constant 0 : i32
        %dma_wait3A_418 = tpu.memref_slice %arg8[%dma_wait3A_415, %dma_wait3A_416, %dma_wait3A_417] : memref<6x1x80xi32, #tpu.memory_space<vmem>> -> memref<1x1x80xi32, #tpu.memory_space<vmem>>
        %dma_wait3A_419 = tpu.memref_squeeze %dma_wait3A_418 : memref<1x1x80xi32, #tpu.memory_space<vmem>> -> memref<80xi32, #tpu.memory_space<vmem>>
        %dma_wait3A_420 = arith.constant 0 : i32
        %dma_wait3A_421 = arith.constant 0 : i32
        %dma_wait3A_422 = tpu.memref_slice %arg4[%dma_wait3A_420, %dma_wait3A_421] : memref<10000x128xf32, #tpu.memory_space<hbm>> -> memref<10000x128xf32, #tpu.memory_space<hbm>>
        tpu.wait_indirect_dma semaphore(%arg14 : memref<!tpu.dma_semaphore, #tpu.memory_space<semaphore_mem>>) src(%dma_wait3A_422 : memref<10000x128xf32, #tpu.memory_space<hbm>>) dst(%arg10 : memref<80x128xf32, #tpu.memory_space<vmem>>)
        %dma_start3A_423 = arith.constant 0 : i32
        %dma_start3A_424 = arith.constant 0 : i32
        %dma_start3A_425 = arith.constant 0 : i32
        %dma_start3A_426 = tpu.memref_slice %arg9[%dma_start3A_423, %dma_start3A_424, %dma_start3A_425] : memref<6x1x80xi32, #tpu.memory_space<vmem>> -> memref<1x1x80xi32, #tpu.memory_space<vmem>>
        %dma_start3A_427 = tpu.memref_squeeze %dma_start3A_426 : memref<1x1x80xi32, #tpu.memory_space<vmem>> -> memref<80xi32, #tpu.memory_space<vmem>>
        %dma_start3A_428 = arith.constant 0 : i32
        %dma_start3A_429 = arith.constant 0 : i32
        %dma_start3A_430 = tpu.memref_slice %arg7[%dma_start3A_428, %dma_start3A_429] : memref<10240x128xf32, #tpu.memory_space<vmem_shared>> -> memref<10240x128xf32, #tpu.memory_space<vmem_shared>>
        tpu.enqueue_indirect_dma source(%arg10 : memref<80x128xf32, #tpu.memory_space<vmem>>) target(%dma_start3A_430 : memref<10240x128xf32, #tpu.memory_space<vmem_shared>>) offsets(%dma_start3A_427 : memref<80xi32, #tpu.memory_space<vmem>>) semaphore(%arg17 : memref<!tpu.dma_semaphore, #tpu.memory_space<semaphore_mem>>) {add = true}
        %scan3A_431 = arith.constant 0 : i32
        %scan3A_432 = arith.constant 5 : i32
        %scan3A_433 = arith.addi %scan3A_431, %scan3A_432 : i32
        %scan3A_434 = arith.constant 1 : i32
        scf.for %scan3A_436 = %scan3A_431 to %scan3A_433 step %scan3A_434  : i32 {
          %mul3A_437 = arith.constant 1 : i32
          %mul3A_438 = arith.muli %scan3A_436, %mul3A_437 : i32
          %add3A_439 = arith.constant 0 : i32
          %add3A_440 = arith.addi %add3A_439, %mul3A_438 : i32
          %mul3A_441 = arith.constant 16 : i32
          %mul3A_442 = arith.muli %add3A_440, %mul3A_441 : i32
          %get3A = arith.constant 0 : i32
          %get3A_443 = arith.constant 0 : i32
          %get3A_444 = arith.index_cast %get3A : i32 to index
          %get3A_445 = arith.index_cast %get3A_443 : i32 to index
          %get3A_446 = arith.index_cast %mul3A_442 : i32 to index
          %get3A_447 = tpu.vector_load %arg9[%get3A_444, %get3A_445, %get3A_446] {strides = array<i32>} : memref<6x1x80xi32, #tpu.memory_space<vmem>>, vector<16xi32>,
          %broadcast_in_dim3A = arith.constant true
          %broadcast_in_dim3A_448 = vector.broadcast %broadcast_in_dim3A : i1 to vector<16xi1>
          %unique3A, %unique3A_449 = tpu.scan_count mask(%broadcast_in_dim3A_448 : vector<16xi1>) value(%get3A_447 : vector<16xi32>) : vector<16xi1>, vector<16xi32>
          %convert_element_type3A_450 = arith.sitofp %unique3A_449 : vector<16xi32> to vector<16xf32>
          tpu.vector_store_idx %arg13[%get3A_447], %convert_element_type3A_450 masked %unique3A {add = true} : memref<10240xf32, #tpu.memory_space<vmem>>[vector<16xi32>], vector<16xf32>, vector<16xi1>
        }
        %scan3A_435 = arith.constant 5 : i32
      } else {
      }
      %add3A_246 = arith.constant 5 : i32
      %add3A_247 = arith.addi %add3A_238, %add3A_246 : i32
      %lt3A_248 = arith.constant 125 : i32
      %lt3A_249 = arith.cmpi slt, %add3A_247, %lt3A_248 : i32
      %convert_element_type3A_250 = arith.extui %lt3A_249 : i1 to i32
      %cond3A_251 = arith.constant 0 : i32
      %cond3A_252 = arith.cmpi ne, %convert_element_type3A_250, %cond3A_251 : i32
      scf.if %cond3A_252 {
        %add3A_415 = arith.constant 5 : i32
        %add3A_416 = arith.addi %add3A_238, %add3A_415 : i32
        %mul3A_417 = arith.constant 80 : i32
        %mul3A_418 = arith.muli %add3A_416, %mul3A_417 : i32
        %add3A_419 = arith.addi %mul3A_18, %mul3A_418 : i32
        %dma_start3A_420 = arith.constant 5 : i32
        %dma_start3A_421 = arith.constant 0 : i32
        %dma_start3A_422 = arith.constant 0 : i32
        %dma_start3A_423 = tpu.memref_slice %arg8[%dma_start3A_420, %dma_start3A_421, %dma_start3A_422] : memref<6x1x80xi32, #tpu.memory_space<vmem>> -> memref<1x1x80xi32, #tpu.memory_space<vmem>>
        %dma_start3A_424 = tpu.memref_squeeze %dma_start3A_423 : memref<1x1x80xi32, #tpu.memory_space<vmem>> -> memref<80xi32, #tpu.memory_space<vmem>>
        %dma_start3A_425 = tpu.memref_slice %arg2[%add3A_419] : memref<320000xi32, #tpu.memory_space<hbm>> -> memref<80xi32, #tpu.memory_space<hbm>>
        %dma_start3A_426 = arith.constant 0 : i32
        %dma_start3A_427 = tpu.memref_slice %arg8[%dma_start3A_420, %dma_start3A_421, %dma_start3A_426] : memref<6x1x80xi32, #tpu.memory_space<vmem>> -> memref<1x1x80xi32, #tpu.memory_space<vmem>>
        %dma_start3A_428 = tpu.memref_squeeze %dma_start3A_427 : memref<1x1x80xi32, #tpu.memory_space<vmem>> -> memref<80xi32, #tpu.memory_space<vmem>>
        %dma_start3A_429 = tpu.memref_slice %arg2[%add3A_419] : memref<320000xi32, #tpu.memory_space<hbm>> -> memref<80xi32, #tpu.memory_space<hbm>>
        tpu.enqueue_dma source(%dma_start3A_429 : memref<80xi32, #tpu.memory_space<hbm>>) target(%dma_start3A_428 : memref<80xi32, #tpu.memory_space<vmem>>) target_semaphore(%arg25 : memref<!tpu.dma_semaphore, #tpu.memory_space<semaphore_mem>>)
        %dma_start3A_430 = arith.constant 5 : i32
        %dma_start3A_431 = arith.constant 0 : i32
        %dma_start3A_432 = arith.constant 0 : i32
        %dma_start3A_433 = tpu.memref_slice %arg9[%dma_start3A_430, %dma_start3A_431, %dma_start3A_432] : memref<6x1x80xi32, #tpu.memory_space<vmem>> -> memref<1x1x80xi32, #tpu.memory_space<vmem>>
        %dma_start3A_434 = tpu.memref_squeeze %dma_start3A_433 : memref<1x1x80xi32, #tpu.memory_space<vmem>> -> memref<80xi32, #tpu.memory_space<vmem>>
        %dma_start3A_435 = tpu.memref_slice %arg3[%add3A_419] : memref<320000xi32, #tpu.memory_space<hbm>> -> memref<80xi32, #tpu.memory_space<hbm>>
        %dma_start3A_436 = arith.constant 0 : i32
        %dma_start3A_437 = tpu.memref_slice %arg9[%dma_start3A_430, %dma_start3A_431, %dma_start3A_436] : memref<6x1x80xi32, #tpu.memory_space<vmem>> -> memref<1x1x80xi32, #tpu.memory_space<vmem>>
        %dma_start3A_438 = tpu.memref_squeeze %dma_start3A_437 : memref<1x1x80xi32, #tpu.memory_space<vmem>> -> memref<80xi32, #tpu.memory_space<vmem>>
        %dma_start3A_439 = tpu.memref_slice %arg3[%add3A_419] : memref<320000xi32, #tpu.memory_space<hbm>> -> memref<80xi32, #tpu.memory_space<hbm>>
        tpu.enqueue_dma source(%dma_start3A_439 : memref<80xi32, #tpu.memory_space<hbm>>) target(%dma_start3A_438 : memref<80xi32, #tpu.memory_space<vmem>>) target_semaphore(%arg25 : memref<!tpu.dma_semaphore, #tpu.memory_space<semaphore_mem>>)
      } else {
      }
      %add3A_253 = arith.constant 2 : i32
      %add3A_254 = arith.addi %add3A_238, %add3A_253 : i32
      %lt3A_255 = arith.constant 125 : i32
      %lt3A_256 = arith.cmpi slt, %add3A_254, %lt3A_255 : i32
      %convert_element_type3A_257 = arith.extui %lt3A_256 : i1 to i32
      %cond3A_258 = arith.constant 0 : i32
      %cond3A_259 = arith.cmpi ne, %convert_element_type3A_257, %cond3A_258 : i32
      scf.if %cond3A_259 {
        %dma_wait3A_415 = arith.constant 2 : i32
        %dma_wait3A_416 = arith.constant 0 : i32
        %dma_wait3A_417 = arith.constant 0 : i32
        %dma_wait3A_418 = tpu.memref_slice %arg8[%dma_wait3A_415, %dma_wait3A_416, %dma_wait3A_417] : memref<6x1x80xi32, #tpu.memory_space<vmem>> -> memref<1x1x80xi32, #tpu.memory_space<vmem>>
        %dma_wait3A_419 = tpu.memref_squeeze %dma_wait3A_418 : memref<1x1x80xi32, #tpu.memory_space<vmem>> -> memref<80xi32, #tpu.memory_space<vmem>>
        %dma_wait3A_420 = arith.constant 0 : i32
        %dma_wait3A_421 = tpu.memref_slice %arg2[%dma_wait3A_420] : memref<320000xi32, #tpu.memory_space<hbm>> -> memref<80xi32, #tpu.memory_space<hbm>>
        %dma_wait3A_422 = arith.constant 0 : i32
        %dma_wait3A_423 = tpu.memref_slice %arg8[%dma_wait3A_415, %dma_wait3A_416, %dma_wait3A_422] : memref<6x1x80xi32, #tpu.memory_space<vmem>> -> memref<1x1x80xi32, #tpu.memory_space<vmem>>
        %dma_wait3A_424 = tpu.memref_squeeze %dma_wait3A_423 : memref<1x1x80xi32, #tpu.memory_space<vmem>> -> memref<80xi32, #tpu.memory_space<vmem>>
        %dma_wait3A_425 = arith.constant 0 : i32
        %dma_wait3A_426 = tpu.memref_slice %arg2[%dma_wait3A_425] : memref<320000xi32, #tpu.memory_space<hbm>> -> memref<80xi32, #tpu.memory_space<hbm>>
        tpu.wait_dma2 semaphore(%arg22 : memref<!tpu.dma_semaphore, #tpu.memory_space<semaphore_mem>>) src(%dma_wait3A_426 : memref<80xi32, #tpu.memory_space<hbm>>) dst(%dma_wait3A_424 : memref<80xi32, #tpu.memory_space<vmem>>)
        %dma_wait3A_427 = arith.constant 2 : i32
        %dma_wait3A_428 = arith.constant 0 : i32
        %dma_wait3A_429 = arith.constant 0 : i32
        %dma_wait3A_430 = tpu.memref_slice %arg9[%dma_wait3A_427, %dma_wait3A_428, %dma_wait3A_429] : memref<6x1x80xi32, #tpu.memory_space<vmem>> -> memref<1x1x80xi32, #tpu.memory_space<vmem>>
        %dma_wait3A_431 = tpu.memref_squeeze %dma_wait3A_430 : memref<1x1x80xi32, #tpu.memory_space<vmem>> -> memref<80xi32, #tpu.memory_space<vmem>>
        %dma_wait3A_432 = arith.constant 0 : i32
        %dma_wait3A_433 = tpu.memref_slice %arg3[%dma_wait3A_432] : memref<320000xi32, #tpu.memory_space<hbm>> -> memref<80xi32, #tpu.memory_space<hbm>>
        %dma_wait3A_434 = arith.constant 0 : i32
        %dma_wait3A_435 = tpu.memref_slice %arg9[%dma_wait3A_427, %dma_wait3A_428, %dma_wait3A_434] : memref<6x1x80xi32, #tpu.memory_space<vmem>> -> memref<1x1x80xi32, #tpu.memory_space<vmem>>
        %dma_wait3A_436 = tpu.memref_squeeze %dma_wait3A_435 : memref<1x1x80xi32, #tpu.memory_space<vmem>> -> memref<80xi32, #tpu.memory_space<vmem>>
        %dma_wait3A_437 = arith.constant 0 : i32
        %dma_wait3A_438 = tpu.memref_slice %arg3[%dma_wait3A_437] : memref<320000xi32, #tpu.memory_space<hbm>> -> memref<80xi32, #tpu.memory_space<hbm>>
        tpu.wait_dma2 semaphore(%arg22 : memref<!tpu.dma_semaphore, #tpu.memory_space<semaphore_mem>>) src(%dma_wait3A_438 : memref<80xi32, #tpu.memory_space<hbm>>) dst(%dma_wait3A_436 : memref<80xi32, #tpu.memory_space<vmem>>)
        %dma_start3A_439 = arith.constant 2 : i32
        %dma_start3A_440 = arith.constant 0 : i32
        %dma_start3A_441 = arith.constant 0 : i32
        %dma_start3A_442 = tpu.memref_slice %arg8[%dma_start3A_439, %dma_start3A_440, %dma_start3A_441] : memref<6x1x80xi32, #tpu.memory_space<vmem>> -> memref<1x1x80xi32, #tpu.memory_space<vmem>>
        %dma_start3A_443 = tpu.memref_squeeze %dma_start3A_442 : memref<1x1x80xi32, #tpu.memory_space<vmem>> -> memref<80xi32, #tpu.memory_space<vmem>>
        %dma_start3A_444 = arith.constant 0 : i32
        %dma_start3A_445 = arith.constant 0 : i32
        %dma_start3A_446 = tpu.memref_slice %arg4[%dma_start3A_444, %dma_start3A_445] : memref<10000x128xf32, #tpu.memory_space<hbm>> -> memref<10000x128xf32, #tpu.memory_space<hbm>>
        tpu.enqueue_indirect_dma source(%dma_start3A_446 : memref<10000x128xf32, #tpu.memory_space<hbm>>) target(%arg12 : memref<80x128xf32, #tpu.memory_space<vmem>>) offsets(%dma_start3A_443 : memref<80xi32, #tpu.memory_space<vmem>>) semaphore(%arg16 : memref<!tpu.dma_semaphore, #tpu.memory_space<semaphore_mem>>)
      } else {
      }
      %mul3A_260 = arith.constant 6 : i32
      %mul3A_261 = arith.muli %add3A_234, %mul3A_260 : i32
      %add3A_262 = arith.constant 1 : i32
      %add3A_263 = arith.addi %mul3A_261, %add3A_262 : i32
      %ge3A_264 = arith.constant 1 : i32
      %ge3A_265 = arith.cmpi sge, %add3A_263, %ge3A_264 : i32
      %le3A_266 = arith.constant 125 : i32
      %le3A_267 = arith.cmpi sle, %add3A_263, %le3A_266 : i32
      %and3A_268 = arith.andi %ge3A_265, %le3A_267 : i1
      %convert_element_type3A_269 = arith.extui %and3A_268 : i1 to i32
      %cond3A_270 = arith.constant 0 : i32
      %cond3A_271 = arith.cmpi ne, %convert_element_type3A_269, %cond3A_270 : i32
      scf.if %cond3A_271 {
        %dma_wait3A_415 = arith.constant 0 : i32
        %dma_wait3A_416 = arith.constant 0 : i32
        %dma_wait3A_417 = arith.constant 0 : i32
        %dma_wait3A_418 = tpu.memref_slice %arg9[%dma_wait3A_415, %dma_wait3A_416, %dma_wait3A_417] : memref<6x1x80xi32, #tpu.memory_space<vmem>> -> memref<1x1x80xi32, #tpu.memory_space<vmem>>
        %dma_wait3A_419 = tpu.memref_squeeze %dma_wait3A_418 : memref<1x1x80xi32, #tpu.memory_space<vmem>> -> memref<80xi32, #tpu.memory_space<vmem>>
        %dma_wait3A_420 = arith.constant 0 : i32
        %dma_wait3A_421 = arith.constant 0 : i32
        %dma_wait3A_422 = tpu.memref_slice %arg7[%dma_wait3A_420, %dma_wait3A_421] : memref<10240x128xf32, #tpu.memory_space<vmem_shared>> -> memref<10240x128xf32, #tpu.memory_space<vmem_shared>>
        tpu.wait_indirect_dma semaphore(%arg17 : memref<!tpu.dma_semaphore, #tpu.memory_space<semaphore_mem>>) src(%arg10 : memref<80x128xf32, #tpu.memory_space<vmem>>) dst(%dma_wait3A_422 : memref<10240x128xf32, #tpu.memory_space<vmem_shared>>)
      } else {
      }
      %lt3A_272 = arith.constant 125 : i32
      %lt3A_273 = arith.cmpi slt, %add3A_263, %lt3A_272 : i32
      %convert_element_type3A_274 = arith.extui %lt3A_273 : i1 to i32
      %cond3A_275 = arith.constant 0 : i32
      %cond3A_276 = arith.cmpi ne, %convert_element_type3A_274, %cond3A_275 : i32
      scf.if %cond3A_276 {
        %dma_wait3A_415 = arith.constant 1 : i32
        %dma_wait3A_416 = arith.constant 0 : i32
        %dma_wait3A_417 = arith.constant 0 : i32
        %dma_wait3A_418 = tpu.memref_slice %arg8[%dma_wait3A_415, %dma_wait3A_416, %dma_wait3A_417] : memref<6x1x80xi32, #tpu.memory_space<vmem>> -> memref<1x1x80xi32, #tpu.memory_space<vmem>>
        %dma_wait3A_419 = tpu.memref_squeeze %dma_wait3A_418 : memref<1x1x80xi32, #tpu.memory_space<vmem>> -> memref<80xi32, #tpu.memory_space<vmem>>
        %dma_wait3A_420 = arith.constant 0 : i32
        %dma_wait3A_421 = arith.constant 0 : i32
        %dma_wait3A_422 = tpu.memref_slice %arg4[%dma_wait3A_420, %dma_wait3A_421] : memref<10000x128xf32, #tpu.memory_space<hbm>> -> memref<10000x128xf32, #tpu.memory_space<hbm>>
        tpu.wait_indirect_dma semaphore(%arg15 : memref<!tpu.dma_semaphore, #tpu.memory_space<semaphore_mem>>) src(%dma_wait3A_422 : memref<10000x128xf32, #tpu.memory_space<hbm>>) dst(%arg11 : memref<80x128xf32, #tpu.memory_space<vmem>>)
        %dma_start3A_423 = arith.constant 1 : i32
        %dma_start3A_424 = arith.constant 0 : i32
        %dma_start3A_425 = arith.constant 0 : i32
        %dma_start3A_426 = tpu.memref_slice %arg9[%dma_start3A_423, %dma_start3A_424, %dma_start3A_425] : memref<6x1x80xi32, #tpu.memory_space<vmem>> -> memref<1x1x80xi32, #tpu.memory_space<vmem>>
        %dma_start3A_427 = tpu.memref_squeeze %dma_start3A_426 : memref<1x1x80xi32, #tpu.memory_space<vmem>> -> memref<80xi32, #tpu.memory_space<vmem>>
        %dma_start3A_428 = arith.constant 0 : i32
        %dma_start3A_429 = arith.constant 0 : i32
        %dma_start3A_430 = tpu.memref_slice %arg7[%dma_start3A_428, %dma_start3A_429] : memref<10240x128xf32, #tpu.memory_space<vmem_shared>> -> memref<10240x128xf32, #tpu.memory_space<vmem_shared>>
        tpu.enqueue_indirect_dma source(%arg11 : memref<80x128xf32, #tpu.memory_space<vmem>>) target(%dma_start3A_430 : memref<10240x128xf32, #tpu.memory_space<vmem_shared>>) offsets(%dma_start3A_427 : memref<80xi32, #tpu.memory_space<vmem>>) semaphore(%arg18 : memref<!tpu.dma_semaphore, #tpu.memory_space<semaphore_mem>>) {add = true}
        %scan3A_431 = arith.constant 0 : i32
        %scan3A_432 = arith.constant 5 : i32
        %scan3A_433 = arith.addi %scan3A_431, %scan3A_432 : i32
        %scan3A_434 = arith.constant 1 : i32
        scf.for %scan3A_436 = %scan3A_431 to %scan3A_433 step %scan3A_434  : i32 {
          %mul3A_437 = arith.constant 1 : i32
          %mul3A_438 = arith.muli %scan3A_436, %mul3A_437 : i32
          %add3A_439 = arith.constant 0 : i32
          %add3A_440 = arith.addi %add3A_439, %mul3A_438 : i32
          %mul3A_441 = arith.constant 16 : i32
          %mul3A_442 = arith.muli %add3A_440, %mul3A_441 : i32
          %get3A = arith.constant 1 : i32
          %get3A_443 = arith.constant 0 : i32
          %get3A_444 = arith.index_cast %get3A : i32 to index
          %get3A_445 = arith.index_cast %get3A_443 : i32 to index
          %get3A_446 = arith.index_cast %mul3A_442 : i32 to index
          %get3A_447 = tpu.vector_load %arg9[%get3A_444, %get3A_445, %get3A_446] {strides = array<i32>} : memref<6x1x80xi32, #tpu.memory_space<vmem>>, vector<16xi32>,
          %broadcast_in_dim3A = arith.constant true
          %broadcast_in_dim3A_448 = vector.broadcast %broadcast_in_dim3A : i1 to vector<16xi1>
          %unique3A, %unique3A_449 = tpu.scan_count mask(%broadcast_in_dim3A_448 : vector<16xi1>) value(%get3A_447 : vector<16xi32>) : vector<16xi1>, vector<16xi32>
          %convert_element_type3A_450 = arith.sitofp %unique3A_449 : vector<16xi32> to vector<16xf32>
          tpu.vector_store_idx %arg13[%get3A_447], %convert_element_type3A_450 masked %unique3A {add = true} : memref<10240xf32, #tpu.memory_space<vmem>>[vector<16xi32>], vector<16xf32>, vector<16xi1>
        }
        %scan3A_435 = arith.constant 5 : i32
      } else {
      }
      %add3A_277 = arith.constant 5 : i32
      %add3A_278 = arith.addi %add3A_263, %add3A_277 : i32
      %lt3A_279 = arith.constant 125 : i32
      %lt3A_280 = arith.cmpi slt, %add3A_278, %lt3A_279 : i32
      %convert_element_type3A_281 = arith.extui %lt3A_280 : i1 to i32
      %cond3A_282 = arith.constant 0 : i32
      %cond3A_283 = arith.cmpi ne, %convert_element_type3A_281, %cond3A_282 : i32
      scf.if %cond3A_283 {
        %add3A_415 = arith.constant 5 : i32
        %add3A_416 = arith.addi %add3A_263, %add3A_415 : i32
        %mul3A_417 = arith.constant 80 : i32
        %mul3A_418 = arith.muli %add3A_416, %mul3A_417 : i32
        %add3A_419 = arith.addi %mul3A_18, %mul3A_418 : i32
        %dma_start3A_420 = arith.constant 0 : i32
        %dma_start3A_421 = arith.constant 0 : i32
        %dma_start3A_422 = arith.constant 0 : i32
        %dma_start3A_423 = tpu.memref_slice %arg8[%dma_start3A_420, %dma_start3A_421, %dma_start3A_422] : memref<6x1x80xi32, #tpu.memory_space<vmem>> -> memref<1x1x80xi32, #tpu.memory_space<vmem>>
        %dma_start3A_424 = tpu.memref_squeeze %dma_start3A_423 : memref<1x1x80xi32, #tpu.memory_space<vmem>> -> memref<80xi32, #tpu.memory_space<vmem>>
        %dma_start3A_425 = tpu.memref_slice %arg2[%add3A_419] : memref<320000xi32, #tpu.memory_space<hbm>> -> memref<80xi32, #tpu.memory_space<hbm>>
        %dma_start3A_426 = arith.constant 0 : i32
        %dma_start3A_427 = tpu.memref_slice %arg8[%dma_start3A_420, %dma_start3A_421, %dma_start3A_426] : memref<6x1x80xi32, #tpu.memory_space<vmem>> -> memref<1x1x80xi32, #tpu.memory_space<vmem>>
        %dma_start3A_428 = tpu.memref_squeeze %dma_start3A_427 : memref<1x1x80xi32, #tpu.memory_space<vmem>> -> memref<80xi32, #tpu.memory_space<vmem>>
        %dma_start3A_429 = tpu.memref_slice %arg2[%add3A_419] : memref<320000xi32, #tpu.memory_space<hbm>> -> memref<80xi32, #tpu.memory_space<hbm>>
        tpu.enqueue_dma source(%dma_start3A_429 : memref<80xi32, #tpu.memory_space<hbm>>) target(%dma_start3A_428 : memref<80xi32, #tpu.memory_space<vmem>>) target_semaphore(%arg20 : memref<!tpu.dma_semaphore, #tpu.memory_space<semaphore_mem>>)
        %dma_start3A_430 = arith.constant 0 : i32
        %dma_start3A_431 = arith.constant 0 : i32
        %dma_start3A_432 = arith.constant 0 : i32
        %dma_start3A_433 = tpu.memref_slice %arg9[%dma_start3A_430, %dma_start3A_431, %dma_start3A_432] : memref<6x1x80xi32, #tpu.memory_space<vmem>> -> memref<1x1x80xi32, #tpu.memory_space<vmem>>
        %dma_start3A_434 = tpu.memref_squeeze %dma_start3A_433 : memref<1x1x80xi32, #tpu.memory_space<vmem>> -> memref<80xi32, #tpu.memory_space<vmem>>
        %dma_start3A_435 = tpu.memref_slice %arg3[%add3A_419] : memref<320000xi32, #tpu.memory_space<hbm>> -> memref<80xi32, #tpu.memory_space<hbm>>
        %dma_start3A_436 = arith.constant 0 : i32
        %dma_start3A_437 = tpu.memref_slice %arg9[%dma_start3A_430, %dma_start3A_431, %dma_start3A_436] : memref<6x1x80xi32, #tpu.memory_space<vmem>> -> memref<1x1x80xi32, #tpu.memory_space<vmem>>
        %dma_start3A_438 = tpu.memref_squeeze %dma_start3A_437 : memref<1x1x80xi32, #tpu.memory_space<vmem>> -> memref<80xi32, #tpu.memory_space<vmem>>
        %dma_start3A_439 = tpu.memref_slice %arg3[%add3A_419] : memref<320000xi32, #tpu.memory_space<hbm>> -> memref<80xi32, #tpu.memory_space<hbm>>
        tpu.enqueue_dma source(%dma_start3A_439 : memref<80xi32, #tpu.memory_space<hbm>>) target(%dma_start3A_438 : memref<80xi32, #tpu.memory_space<vmem>>) target_semaphore(%arg20 : memref<!tpu.dma_semaphore, #tpu.memory_space<semaphore_mem>>)
      } else {
      }
      %add3A_284 = arith.constant 2 : i32
      %add3A_285 = arith.addi %add3A_263, %add3A_284 : i32
      %lt3A_286 = arith.constant 125 : i32
      %lt3A_287 = arith.cmpi slt, %add3A_285, %lt3A_286 : i32
      %convert_element_type3A_288 = arith.extui %lt3A_287 : i1 to i32
      %cond3A_289 = arith.constant 0 : i32
      %cond3A_290 = arith.cmpi ne, %convert_element_type3A_288, %cond3A_289 : i32
      scf.if %cond3A_290 {
        %dma_wait3A_415 = arith.constant 3 : i32
        %dma_wait3A_416 = arith.constant 0 : i32
        %dma_wait3A_417 = arith.constant 0 : i32
        %dma_wait3A_418 = tpu.memref_slice %arg8[%dma_wait3A_415, %dma_wait3A_416, %dma_wait3A_417] : memref<6x1x80xi32, #tpu.memory_space<vmem>> -> memref<1x1x80xi32, #tpu.memory_space<vmem>>
        %dma_wait3A_419 = tpu.memref_squeeze %dma_wait3A_418 : memref<1x1x80xi32, #tpu.memory_space<vmem>> -> memref<80xi32, #tpu.memory_space<vmem>>
        %dma_wait3A_420 = arith.constant 0 : i32
        %dma_wait3A_421 = tpu.memref_slice %arg2[%dma_wait3A_420] : memref<320000xi32, #tpu.memory_space<hbm>> -> memref<80xi32, #tpu.memory_space<hbm>>
        %dma_wait3A_422 = arith.constant 0 : i32
        %dma_wait3A_423 = tpu.memref_slice %arg8[%dma_wait3A_415, %dma_wait3A_416, %dma_wait3A_422] : memref<6x1x80xi32, #tpu.memory_space<vmem>> -> memref<1x1x80xi32, #tpu.memory_space<vmem>>
        %dma_wait3A_424 = tpu.memref_squeeze %dma_wait3A_423 : memref<1x1x80xi32, #tpu.memory_space<vmem>> -> memref<80xi32, #tpu.memory_space<vmem>>
        %dma_wait3A_425 = arith.constant 0 : i32
        %dma_wait3A_426 = tpu.memref_slice %arg2[%dma_wait3A_425] : memref<320000xi32, #tpu.memory_space<hbm>> -> memref<80xi32, #tpu.memory_space<hbm>>
        tpu.wait_dma2 semaphore(%arg23 : memref<!tpu.dma_semaphore, #tpu.memory_space<semaphore_mem>>) src(%dma_wait3A_426 : memref<80xi32, #tpu.memory_space<hbm>>) dst(%dma_wait3A_424 : memref<80xi32, #tpu.memory_space<vmem>>)
        %dma_wait3A_427 = arith.constant 3 : i32
        %dma_wait3A_428 = arith.constant 0 : i32
        %dma_wait3A_429 = arith.constant 0 : i32
        %dma_wait3A_430 = tpu.memref_slice %arg9[%dma_wait3A_427, %dma_wait3A_428, %dma_wait3A_429] : memref<6x1x80xi32, #tpu.memory_space<vmem>> -> memref<1x1x80xi32, #tpu.memory_space<vmem>>
        %dma_wait3A_431 = tpu.memref_squeeze %dma_wait3A_430 : memref<1x1x80xi32, #tpu.memory_space<vmem>> -> memref<80xi32, #tpu.memory_space<vmem>>
        %dma_wait3A_432 = arith.constant 0 : i32
        %dma_wait3A_433 = tpu.memref_slice %arg3[%dma_wait3A_432] : memref<320000xi32, #tpu.memory_space<hbm>> -> memref<80xi32, #tpu.memory_space<hbm>>
        %dma_wait3A_434 = arith.constant 0 : i32
        %dma_wait3A_435 = tpu.memref_slice %arg9[%dma_wait3A_427, %dma_wait3A_428, %dma_wait3A_434] : memref<6x1x80xi32, #tpu.memory_space<vmem>> -> memref<1x1x80xi32, #tpu.memory_space<vmem>>
        %dma_wait3A_436 = tpu.memref_squeeze %dma_wait3A_435 : memref<1x1x80xi32, #tpu.memory_space<vmem>> -> memref<80xi32, #tpu.memory_space<vmem>>
        %dma_wait3A_437 = arith.constant 0 : i32
        %dma_wait3A_438 = tpu.memref_slice %arg3[%dma_wait3A_437] : memref<320000xi32, #tpu.memory_space<hbm>> -> memref<80xi32, #tpu.memory_space<hbm>>
        tpu.wait_dma2 semaphore(%arg23 : memref<!tpu.dma_semaphore, #tpu.memory_space<semaphore_mem>>) src(%dma_wait3A_438 : memref<80xi32, #tpu.memory_space<hbm>>) dst(%dma_wait3A_436 : memref<80xi32, #tpu.memory_space<vmem>>)
        %dma_start3A_439 = arith.constant 3 : i32
        %dma_start3A_440 = arith.constant 0 : i32
        %dma_start3A_441 = arith.constant 0 : i32
        %dma_start3A_442 = tpu.memref_slice %arg8[%dma_start3A_439, %dma_start3A_440, %dma_start3A_441] : memref<6x1x80xi32, #tpu.memory_space<vmem>> -> memref<1x1x80xi32, #tpu.memory_space<vmem>>
        %dma_start3A_443 = tpu.memref_squeeze %dma_start3A_442 : memref<1x1x80xi32, #tpu.memory_space<vmem>> -> memref<80xi32, #tpu.memory_space<vmem>>
        %dma_start3A_444 = arith.constant 0 : i32
        %dma_start3A_445 = arith.constant 0 : i32
        %dma_start3A_446 = tpu.memref_slice %arg4[%dma_start3A_444, %dma_start3A_445] : memref<10000x128xf32, #tpu.memory_space<hbm>> -> memref<10000x128xf32, #tpu.memory_space<hbm>>
        tpu.enqueue_indirect_dma source(%dma_start3A_446 : memref<10000x128xf32, #tpu.memory_space<hbm>>) target(%arg10 : memref<80x128xf32, #tpu.memory_space<vmem>>) offsets(%dma_start3A_443 : memref<80xi32, #tpu.memory_space<vmem>>) semaphore(%arg14 : memref<!tpu.dma_semaphore, #tpu.memory_space<semaphore_mem>>)
      } else {
      }
      %mul3A_291 = arith.constant 6 : i32
      %mul3A_292 = arith.muli %add3A_234, %mul3A_291 : i32
      %add3A_293 = arith.constant 2 : i32
      %add3A_294 = arith.addi %mul3A_292, %add3A_293 : i32
      %ge3A_295 = arith.constant 1 : i32
      %ge3A_296 = arith.cmpi sge, %add3A_294, %ge3A_295 : i32
      %le3A_297 = arith.constant 125 : i32
      %le3A_298 = arith.cmpi sle, %add3A_294, %le3A_297 : i32
      %and3A_299 = arith.andi %ge3A_296, %le3A_298 : i1
      %convert_element_type3A_300 = arith.extui %and3A_299 : i1 to i32
      %cond3A_301 = arith.constant 0 : i32
      %cond3A_302 = arith.cmpi ne, %convert_element_type3A_300, %cond3A_301 : i32
      scf.if %cond3A_302 {
        %dma_wait3A_415 = arith.constant 1 : i32
        %dma_wait3A_416 = arith.constant 0 : i32
        %dma_wait3A_417 = arith.constant 0 : i32
        %dma_wait3A_418 = tpu.memref_slice %arg9[%dma_wait3A_415, %dma_wait3A_416, %dma_wait3A_417] : memref<6x1x80xi32, #tpu.memory_space<vmem>> -> memref<1x1x80xi32, #tpu.memory_space<vmem>>
        %dma_wait3A_419 = tpu.memref_squeeze %dma_wait3A_418 : memref<1x1x80xi32, #tpu.memory_space<vmem>> -> memref<80xi32, #tpu.memory_space<vmem>>
        %dma_wait3A_420 = arith.constant 0 : i32
        %dma_wait3A_421 = arith.constant 0 : i32
        %dma_wait3A_422 = tpu.memref_slice %arg7[%dma_wait3A_420, %dma_wait3A_421] : memref<10240x128xf32, #tpu.memory_space<vmem_shared>> -> memref<10240x128xf32, #tpu.memory_space<vmem_shared>>
        tpu.wait_indirect_dma semaphore(%arg18 : memref<!tpu.dma_semaphore, #tpu.memory_space<semaphore_mem>>) src(%arg11 : memref<80x128xf32, #tpu.memory_space<vmem>>) dst(%dma_wait3A_422 : memref<10240x128xf32, #tpu.memory_space<vmem_shared>>)
      } else {
      }
      %lt3A_303 = arith.constant 125 : i32
      %lt3A_304 = arith.cmpi slt, %add3A_294, %lt3A_303 : i32
      %convert_element_type3A_305 = arith.extui %lt3A_304 : i1 to i32
      %cond3A_306 = arith.constant 0 : i32
      %cond3A_307 = arith.cmpi ne, %convert_element_type3A_305, %cond3A_306 : i32
      scf.if %cond3A_307 {
        %dma_wait3A_415 = arith.constant 2 : i32
        %dma_wait3A_416 = arith.constant 0 : i32
        %dma_wait3A_417 = arith.constant 0 : i32
        %dma_wait3A_418 = tpu.memref_slice %arg8[%dma_wait3A_415, %dma_wait3A_416, %dma_wait3A_417] : memref<6x1x80xi32, #tpu.memory_space<vmem>> -> memref<1x1x80xi32, #tpu.memory_space<vmem>>
        %dma_wait3A_419 = tpu.memref_squeeze %dma_wait3A_418 : memref<1x1x80xi32, #tpu.memory_space<vmem>> -> memref<80xi32, #tpu.memory_space<vmem>>
        %dma_wait3A_420 = arith.constant 0 : i32
        %dma_wait3A_421 = arith.constant 0 : i32
        %dma_wait3A_422 = tpu.memref_slice %arg4[%dma_wait3A_420, %dma_wait3A_421] : memref<10000x128xf32, #tpu.memory_space<hbm>> -> memref<10000x128xf32, #tpu.memory_space<hbm>>
        tpu.wait_indirect_dma semaphore(%arg16 : memref<!tpu.dma_semaphore, #tpu.memory_space<semaphore_mem>>) src(%dma_wait3A_422 : memref<10000x128xf32, #tpu.memory_space<hbm>>) dst(%arg12 : memref<80x128xf32, #tpu.memory_space<vmem>>)
        %dma_start3A_423 = arith.constant 2 : i32
        %dma_start3A_424 = arith.constant 0 : i32
        %dma_start3A_425 = arith.constant 0 : i32
        %dma_start3A_426 = tpu.memref_slice %arg9[%dma_start3A_423, %dma_start3A_424, %dma_start3A_425] : memref<6x1x80xi32, #tpu.memory_space<vmem>> -> memref<1x1x80xi32, #tpu.memory_space<vmem>>
        %dma_start3A_427 = tpu.memref_squeeze %dma_start3A_426 : memref<1x1x80xi32, #tpu.memory_space<vmem>> -> memref<80xi32, #tpu.memory_space<vmem>>
        %dma_start3A_428 = arith.constant 0 : i32
        %dma_start3A_429 = arith.constant 0 : i32
        %dma_start3A_430 = tpu.memref_slice %arg7[%dma_start3A_428, %dma_start3A_429] : memref<10240x128xf32, #tpu.memory_space<vmem_shared>> -> memref<10240x128xf32, #tpu.memory_space<vmem_shared>>
        tpu.enqueue_indirect_dma source(%arg12 : memref<80x128xf32, #tpu.memory_space<vmem>>) target(%dma_start3A_430 : memref<10240x128xf32, #tpu.memory_space<vmem_shared>>) offsets(%dma_start3A_427 : memref<80xi32, #tpu.memory_space<vmem>>) semaphore(%arg19 : memref<!tpu.dma_semaphore, #tpu.memory_space<semaphore_mem>>) {add = true}
        %scan3A_431 = arith.constant 0 : i32
        %scan3A_432 = arith.constant 5 : i32
        %scan3A_433 = arith.addi %scan3A_431, %scan3A_432 : i32
        %scan3A_434 = arith.constant 1 : i32
        scf.for %scan3A_436 = %scan3A_431 to %scan3A_433 step %scan3A_434  : i32 {
          %mul3A_437 = arith.constant 1 : i32
          %mul3A_438 = arith.muli %scan3A_436, %mul3A_437 : i32
          %add3A_439 = arith.constant 0 : i32
          %add3A_440 = arith.addi %add3A_439, %mul3A_438 : i32
          %mul3A_441 = arith.constant 16 : i32
          %mul3A_442 = arith.muli %add3A_440, %mul3A_441 : i32
          %get3A = arith.constant 2 : i32
          %get3A_443 = arith.constant 0 : i32
          %get3A_444 = arith.index_cast %get3A : i32 to index
          %get3A_445 = arith.index_cast %get3A_443 : i32 to index
          %get3A_446 = arith.index_cast %mul3A_442 : i32 to index
          %get3A_447 = tpu.vector_load %arg9[%get3A_444, %get3A_445, %get3A_446] {strides = array<i32>} : memref<6x1x80xi32, #tpu.memory_space<vmem>>, vector<16xi32>,
          %broadcast_in_dim3A = arith.constant true
          %broadcast_in_dim3A_448 = vector.broadcast %broadcast_in_dim3A : i1 to vector<16xi1>
          %unique3A, %unique3A_449 = tpu.scan_count mask(%broadcast_in_dim3A_448 : vector<16xi1>) value(%get3A_447 : vector<16xi32>) : vector<16xi1>, vector<16xi32>
          %convert_element_type3A_450 = arith.sitofp %unique3A_449 : vector<16xi32> to vector<16xf32>
          tpu.vector_store_idx %arg13[%get3A_447], %convert_element_type3A_450 masked %unique3A {add = true} : memref<10240xf32, #tpu.memory_space<vmem>>[vector<16xi32>], vector<16xf32>, vector<16xi1>
        }
        %scan3A_435 = arith.constant 5 : i32
      } else {
      }
      %add3A_308 = arith.constant 5 : i32
      %add3A_309 = arith.addi %add3A_294, %add3A_308 : i32
      %lt3A_310 = arith.constant 125 : i32
      %lt3A_311 = arith.cmpi slt, %add3A_309, %lt3A_310 : i32
      %convert_element_type3A_312 = arith.extui %lt3A_311 : i1 to i32
      %cond3A_313 = arith.constant 0 : i32
      %cond3A_314 = arith.cmpi ne, %convert_element_type3A_312, %cond3A_313 : i32
      scf.if %cond3A_314 {
        %add3A_415 = arith.constant 5 : i32
        %add3A_416 = arith.addi %add3A_294, %add3A_415 : i32
        %mul3A_417 = arith.constant 80 : i32
        %mul3A_418 = arith.muli %add3A_416, %mul3A_417 : i32
        %add3A_419 = arith.addi %mul3A_18, %mul3A_418 : i32
        %dma_start3A_420 = arith.constant 1 : i32
        %dma_start3A_421 = arith.constant 0 : i32
        %dma_start3A_422 = arith.constant 0 : i32
        %dma_start3A_423 = tpu.memref_slice %arg8[%dma_start3A_420, %dma_start3A_421, %dma_start3A_422] : memref<6x1x80xi32, #tpu.memory_space<vmem>> -> memref<1x1x80xi32, #tpu.memory_space<vmem>>
        %dma_start3A_424 = tpu.memref_squeeze %dma_start3A_423 : memref<1x1x80xi32, #tpu.memory_space<vmem>> -> memref<80xi32, #tpu.memory_space<vmem>>
        %dma_start3A_425 = tpu.memref_slice %arg2[%add3A_419] : memref<320000xi32, #tpu.memory_space<hbm>> -> memref<80xi32, #tpu.memory_space<hbm>>
        %dma_start3A_426 = arith.constant 0 : i32
        %dma_start3A_427 = tpu.memref_slice %arg8[%dma_start3A_420, %dma_start3A_421, %dma_start3A_426] : memref<6x1x80xi32, #tpu.memory_space<vmem>> -> memref<1x1x80xi32, #tpu.memory_space<vmem>>
        %dma_start3A_428 = tpu.memref_squeeze %dma_start3A_427 : memref<1x1x80xi32, #tpu.memory_space<vmem>> -> memref<80xi32, #tpu.memory_space<vmem>>
        %dma_start3A_429 = tpu.memref_slice %arg2[%add3A_419] : memref<320000xi32, #tpu.memory_space<hbm>> -> memref<80xi32, #tpu.memory_space<hbm>>
        tpu.enqueue_dma source(%dma_start3A_429 : memref<80xi32, #tpu.memory_space<hbm>>) target(%dma_start3A_428 : memref<80xi32, #tpu.memory_space<vmem>>) target_semaphore(%arg21 : memref<!tpu.dma_semaphore, #tpu.memory_space<semaphore_mem>>)
        %dma_start3A_430 = arith.constant 1 : i32
        %dma_start3A_431 = arith.constant 0 : i32
        %dma_start3A_432 = arith.constant 0 : i32
        %dma_start3A_433 = tpu.memref_slice %arg9[%dma_start3A_430, %dma_start3A_431, %dma_start3A_432] : memref<6x1x80xi32, #tpu.memory_space<vmem>> -> memref<1x1x80xi32, #tpu.memory_space<vmem>>
        %dma_start3A_434 = tpu.memref_squeeze %dma_start3A_433 : memref<1x1x80xi32, #tpu.memory_space<vmem>> -> memref<80xi32, #tpu.memory_space<vmem>>
        %dma_start3A_435 = tpu.memref_slice %arg3[%add3A_419] : memref<320000xi32, #tpu.memory_space<hbm>> -> memref<80xi32, #tpu.memory_space<hbm>>
        %dma_start3A_436 = arith.constant 0 : i32
        %dma_start3A_437 = tpu.memref_slice %arg9[%dma_start3A_430, %dma_start3A_431, %dma_start3A_436] : memref<6x1x80xi32, #tpu.memory_space<vmem>> -> memref<1x1x80xi32, #tpu.memory_space<vmem>>
        %dma_start3A_438 = tpu.memref_squeeze %dma_start3A_437 : memref<1x1x80xi32, #tpu.memory_space<vmem>> -> memref<80xi32, #tpu.memory_space<vmem>>
        %dma_start3A_439 = tpu.memref_slice %arg3[%add3A_419] : memref<320000xi32, #tpu.memory_space<hbm>> -> memref<80xi32, #tpu.memory_space<hbm>>
        tpu.enqueue_dma source(%dma_start3A_439 : memref<80xi32, #tpu.memory_space<hbm>>) target(%dma_start3A_438 : memref<80xi32, #tpu.memory_space<vmem>>) target_semaphore(%arg21 : memref<!tpu.dma_semaphore, #tpu.memory_space<semaphore_mem>>)
      } else {
      }
      %add3A_315 = arith.constant 2 : i32
      %add3A_316 = arith.addi %add3A_294, %add3A_315 : i32
      %lt3A_317 = arith.constant 125 : i32
      %lt3A_318 = arith.cmpi slt, %add3A_316, %lt3A_317 : i32
      %convert_element_type3A_319 = arith.extui %lt3A_318 : i1 to i32
      %cond3A_320 = arith.constant 0 : i32
      %cond3A_321 = arith.cmpi ne, %convert_element_type3A_319, %cond3A_320 : i32
      scf.if %cond3A_321 {
        %dma_wait3A_415 = arith.constant 4 : i32
        %dma_wait3A_416 = arith.constant 0 : i32
        %dma_wait3A_417 = arith.constant 0 : i32
        %dma_wait3A_418 = tpu.memref_slice %arg8[%dma_wait3A_415, %dma_wait3A_416, %dma_wait3A_417] : memref<6x1x80xi32, #tpu.memory_space<vmem>> -> memref<1x1x80xi32, #tpu.memory_space<vmem>>
        %dma_wait3A_419 = tpu.memref_squeeze %dma_wait3A_418 : memref<1x1x80xi32, #tpu.memory_space<vmem>> -> memref<80xi32, #tpu.memory_space<vmem>>
        %dma_wait3A_420 = arith.constant 0 : i32
        %dma_wait3A_421 = tpu.memref_slice %arg2[%dma_wait3A_420] : memref<320000xi32, #tpu.memory_space<hbm>> -> memref<80xi32, #tpu.memory_space<hbm>>
        %dma_wait3A_422 = arith.constant 0 : i32
        %dma_wait3A_423 = tpu.memref_slice %arg8[%dma_wait3A_415, %dma_wait3A_416, %dma_wait3A_422] : memref<6x1x80xi32, #tpu.memory_space<vmem>> -> memref<1x1x80xi32, #tpu.memory_space<vmem>>
        %dma_wait3A_424 = tpu.memref_squeeze %dma_wait3A_423 : memref<1x1x80xi32, #tpu.memory_space<vmem>> -> memref<80xi32, #tpu.memory_space<vmem>>
        %dma_wait3A_425 = arith.constant 0 : i32
        %dma_wait3A_426 = tpu.memref_slice %arg2[%dma_wait3A_425] : memref<320000xi32, #tpu.memory_space<hbm>> -> memref<80xi32, #tpu.memory_space<hbm>>
        tpu.wait_dma2 semaphore(%arg24 : memref<!tpu.dma_semaphore, #tpu.memory_space<semaphore_mem>>) src(%dma_wait3A_426 : memref<80xi32, #tpu.memory_space<hbm>>) dst(%dma_wait3A_424 : memref<80xi32, #tpu.memory_space<vmem>>)
        %dma_wait3A_427 = arith.constant 4 : i32
        %dma_wait3A_428 = arith.constant 0 : i32
        %dma_wait3A_429 = arith.constant 0 : i32
        %dma_wait3A_430 = tpu.memref_slice %arg9[%dma_wait3A_427, %dma_wait3A_428, %dma_wait3A_429] : memref<6x1x80xi32, #tpu.memory_space<vmem>> -> memref<1x1x80xi32, #tpu.memory_space<vmem>>
        %dma_wait3A_431 = tpu.memref_squeeze %dma_wait3A_430 : memref<1x1x80xi32, #tpu.memory_space<vmem>> -> memref<80xi32, #tpu.memory_space<vmem>>
        %dma_wait3A_432 = arith.constant 0 : i32
        %dma_wait3A_433 = tpu.memref_slice %arg3[%dma_wait3A_432] : memref<320000xi32, #tpu.memory_space<hbm>> -> memref<80xi32, #tpu.memory_space<hbm>>
        %dma_wait3A_434 = arith.constant 0 : i32
        %dma_wait3A_435 = tpu.memref_slice %arg9[%dma_wait3A_427, %dma_wait3A_428, %dma_wait3A_434] : memref<6x1x80xi32, #tpu.memory_space<vmem>> -> memref<1x1x80xi32, #tpu.memory_space<vmem>>
        %dma_wait3A_436 = tpu.memref_squeeze %dma_wait3A_435 : memref<1x1x80xi32, #tpu.memory_space<vmem>> -> memref<80xi32, #tpu.memory_space<vmem>>
        %dma_wait3A_437 = arith.constant 0 : i32
        %dma_wait3A_438 = tpu.memref_slice %arg3[%dma_wait3A_437] : memref<320000xi32, #tpu.memory_space<hbm>> -> memref<80xi32, #tpu.memory_space<hbm>>
        tpu.wait_dma2 semaphore(%arg24 : memref<!tpu.dma_semaphore, #tpu.memory_space<semaphore_mem>>) src(%dma_wait3A_438 : memref<80xi32, #tpu.memory_space<hbm>>) dst(%dma_wait3A_436 : memref<80xi32, #tpu.memory_space<vmem>>)
        %dma_start3A_439 = arith.constant 4 : i32
        %dma_start3A_440 = arith.constant 0 : i32
        %dma_start3A_441 = arith.constant 0 : i32
        %dma_start3A_442 = tpu.memref_slice %arg8[%dma_start3A_439, %dma_start3A_440, %dma_start3A_441] : memref<6x1x80xi32, #tpu.memory_space<vmem>> -> memref<1x1x80xi32, #tpu.memory_space<vmem>>
        %dma_start3A_443 = tpu.memref_squeeze %dma_start3A_442 : memref<1x1x80xi32, #tpu.memory_space<vmem>> -> memref<80xi32, #tpu.memory_space<vmem>>
        %dma_start3A_444 = arith.constant 0 : i32
        %dma_start3A_445 = arith.constant 0 : i32
        %dma_start3A_446 = tpu.memref_slice %arg4[%dma_start3A_444, %dma_start3A_445] : memref<10000x128xf32, #tpu.memory_space<hbm>> -> memref<10000x128xf32, #tpu.memory_space<hbm>>
        tpu.enqueue_indirect_dma source(%dma_start3A_446 : memref<10000x128xf32, #tpu.memory_space<hbm>>) target(%arg11 : memref<80x128xf32, #tpu.memory_space<vmem>>) offsets(%dma_start3A_443 : memref<80xi32, #tpu.memory_space<vmem>>) semaphore(%arg15 : memref<!tpu.dma_semaphore, #tpu.memory_space<semaphore_mem>>)
      } else {
      }
      %mul3A_322 = arith.constant 6 : i32
      %mul3A_323 = arith.muli %add3A_234, %mul3A_322 : i32
      %add3A_324 = arith.constant 3 : i32
      %add3A_325 = arith.addi %mul3A_323, %add3A_324 : i32
      %ge3A_326 = arith.constant 1 : i32
      %ge3A_327 = arith.cmpi sge, %add3A_325, %ge3A_326 : i32
      %le3A_328 = arith.constant 125 : i32
      %le3A_329 = arith.cmpi sle, %add3A_325, %le3A_328 : i32
      %and3A_330 = arith.andi %ge3A_327, %le3A_329 : i1
      %convert_element_type3A_331 = arith.extui %and3A_330 : i1 to i32
      %cond3A_332 = arith.constant 0 : i32
      %cond3A_333 = arith.cmpi ne, %convert_element_type3A_331, %cond3A_332 : i32
      scf.if %cond3A_333 {
        %dma_wait3A_415 = arith.constant 2 : i32
        %dma_wait3A_416 = arith.constant 0 : i32
        %dma_wait3A_417 = arith.constant 0 : i32
        %dma_wait3A_418 = tpu.memref_slice %arg9[%dma_wait3A_415, %dma_wait3A_416, %dma_wait3A_417] : memref<6x1x80xi32, #tpu.memory_space<vmem>> -> memref<1x1x80xi32, #tpu.memory_space<vmem>>
        %dma_wait3A_419 = tpu.memref_squeeze %dma_wait3A_418 : memref<1x1x80xi32, #tpu.memory_space<vmem>> -> memref<80xi32, #tpu.memory_space<vmem>>
        %dma_wait3A_420 = arith.constant 0 : i32
        %dma_wait3A_421 = arith.constant 0 : i32
        %dma_wait3A_422 = tpu.memref_slice %arg7[%dma_wait3A_420, %dma_wait3A_421] : memref<10240x128xf32, #tpu.memory_space<vmem_shared>> -> memref<10240x128xf32, #tpu.memory_space<vmem_shared>>
        tpu.wait_indirect_dma semaphore(%arg19 : memref<!tpu.dma_semaphore, #tpu.memory_space<semaphore_mem>>) src(%arg12 : memref<80x128xf32, #tpu.memory_space<vmem>>) dst(%dma_wait3A_422 : memref<10240x128xf32, #tpu.memory_space<vmem_shared>>)
      } else {
      }
      %lt3A_334 = arith.constant 125 : i32
      %lt3A_335 = arith.cmpi slt, %add3A_325, %lt3A_334 : i32
      %convert_element_type3A_336 = arith.extui %lt3A_335 : i1 to i32
      %cond3A_337 = arith.constant 0 : i32
      %cond3A_338 = arith.cmpi ne, %convert_element_type3A_336, %cond3A_337 : i32
      scf.if %cond3A_338 {
        %dma_wait3A_415 = arith.constant 3 : i32
        %dma_wait3A_416 = arith.constant 0 : i32
        %dma_wait3A_417 = arith.constant 0 : i32
        %dma_wait3A_418 = tpu.memref_slice %arg8[%dma_wait3A_415, %dma_wait3A_416, %dma_wait3A_417] : memref<6x1x80xi32, #tpu.memory_space<vmem>> -> memref<1x1x80xi32, #tpu.memory_space<vmem>>
        %dma_wait3A_419 = tpu.memref_squeeze %dma_wait3A_418 : memref<1x1x80xi32, #tpu.memory_space<vmem>> -> memref<80xi32, #tpu.memory_space<vmem>>
        %dma_wait3A_420 = arith.constant 0 : i32
        %dma_wait3A_421 = arith.constant 0 : i32
        %dma_wait3A_422 = tpu.memref_slice %arg4[%dma_wait3A_420, %dma_wait3A_421] : memref<10000x128xf32, #tpu.memory_space<hbm>> -> memref<10000x128xf32, #tpu.memory_space<hbm>>
        tpu.wait_indirect_dma semaphore(%arg14 : memref<!tpu.dma_semaphore, #tpu.memory_space<semaphore_mem>>) src(%dma_wait3A_422 : memref<10000x128xf32, #tpu.memory_space<hbm>>) dst(%arg10 : memref<80x128xf32, #tpu.memory_space<vmem>>)
        %dma_start3A_423 = arith.constant 3 : i32
        %dma_start3A_424 = arith.constant 0 : i32
        %dma_start3A_425 = arith.constant 0 : i32
        %dma_start3A_426 = tpu.memref_slice %arg9[%dma_start3A_423, %dma_start3A_424, %dma_start3A_425] : memref<6x1x80xi32, #tpu.memory_space<vmem>> -> memref<1x1x80xi32, #tpu.memory_space<vmem>>
        %dma_start3A_427 = tpu.memref_squeeze %dma_start3A_426 : memref<1x1x80xi32, #tpu.memory_space<vmem>> -> memref<80xi32, #tpu.memory_space<vmem>>
        %dma_start3A_428 = arith.constant 0 : i32
        %dma_start3A_429 = arith.constant 0 : i32
        %dma_start3A_430 = tpu.memref_slice %arg7[%dma_start3A_428, %dma_start3A_429] : memref<10240x128xf32, #tpu.memory_space<vmem_shared>> -> memref<10240x128xf32, #tpu.memory_space<vmem_shared>>
        tpu.enqueue_indirect_dma source(%arg10 : memref<80x128xf32, #tpu.memory_space<vmem>>) target(%dma_start3A_430 : memref<10240x128xf32, #tpu.memory_space<vmem_shared>>) offsets(%dma_start3A_427 : memref<80xi32, #tpu.memory_space<vmem>>) semaphore(%arg17 : memref<!tpu.dma_semaphore, #tpu.memory_space<semaphore_mem>>) {add = true}
        %scan3A_431 = arith.constant 0 : i32
        %scan3A_432 = arith.constant 5 : i32
        %scan3A_433 = arith.addi %scan3A_431, %scan3A_432 : i32
        %scan3A_434 = arith.constant 1 : i32
        scf.for %scan3A_436 = %scan3A_431 to %scan3A_433 step %scan3A_434  : i32 {
          %mul3A_437 = arith.constant 1 : i32
          %mul3A_438 = arith.muli %scan3A_436, %mul3A_437 : i32
          %add3A_439 = arith.constant 0 : i32
          %add3A_440 = arith.addi %add3A_439, %mul3A_438 : i32
          %mul3A_441 = arith.constant 16 : i32
          %mul3A_442 = arith.muli %add3A_440, %mul3A_441 : i32
          %get3A = arith.constant 3 : i32
          %get3A_443 = arith.constant 0 : i32
          %get3A_444 = arith.index_cast %get3A : i32 to index
          %get3A_445 = arith.index_cast %get3A_443 : i32 to index
          %get3A_446 = arith.index_cast %mul3A_442 : i32 to index
          %get3A_447 = tpu.vector_load %arg9[%get3A_444, %get3A_445, %get3A_446] {strides = array<i32>} : memref<6x1x80xi32, #tpu.memory_space<vmem>>, vector<16xi32>,
          %broadcast_in_dim3A = arith.constant true
          %broadcast_in_dim3A_448 = vector.broadcast %broadcast_in_dim3A : i1 to vector<16xi1>
          %unique3A, %unique3A_449 = tpu.scan_count mask(%broadcast_in_dim3A_448 : vector<16xi1>) value(%get3A_447 : vector<16xi32>) : vector<16xi1>, vector<16xi32>
          %convert_element_type3A_450 = arith.sitofp %unique3A_449 : vector<16xi32> to vector<16xf32>
          tpu.vector_store_idx %arg13[%get3A_447], %convert_element_type3A_450 masked %unique3A {add = true} : memref<10240xf32, #tpu.memory_space<vmem>>[vector<16xi32>], vector<16xf32>, vector<16xi1>
        }
        %scan3A_435 = arith.constant 5 : i32
      } else {
      }
      %add3A_339 = arith.constant 5 : i32
      %add3A_340 = arith.addi %add3A_325, %add3A_339 : i32
      %lt3A_341 = arith.constant 125 : i32
      %lt3A_342 = arith.cmpi slt, %add3A_340, %lt3A_341 : i32
      %convert_element_type3A_343 = arith.extui %lt3A_342 : i1 to i32
      %cond3A_344 = arith.constant 0 : i32
      %cond3A_345 = arith.cmpi ne, %convert_element_type3A_343, %cond3A_344 : i32
      scf.if %cond3A_345 {
        %add3A_415 = arith.constant 5 : i32
        %add3A_416 = arith.addi %add3A_325, %add3A_415 : i32
        %mul3A_417 = arith.constant 80 : i32
        %mul3A_418 = arith.muli %add3A_416, %mul3A_417 : i32
        %add3A_419 = arith.addi %mul3A_18, %mul3A_418 : i32
        %dma_start3A_420 = arith.constant 2 : i32
        %dma_start3A_421 = arith.constant 0 : i32
        %dma_start3A_422 = arith.constant 0 : i32
        %dma_start3A_423 = tpu.memref_slice %arg8[%dma_start3A_420, %dma_start3A_421, %dma_start3A_422] : memref<6x1x80xi32, #tpu.memory_space<vmem>> -> memref<1x1x80xi32, #tpu.memory_space<vmem>>
        %dma_start3A_424 = tpu.memref_squeeze %dma_start3A_423 : memref<1x1x80xi32, #tpu.memory_space<vmem>> -> memref<80xi32, #tpu.memory_space<vmem>>
        %dma_start3A_425 = tpu.memref_slice %arg2[%add3A_419] : memref<320000xi32, #tpu.memory_space<hbm>> -> memref<80xi32, #tpu.memory_space<hbm>>
        %dma_start3A_426 = arith.constant 0 : i32
        %dma_start3A_427 = tpu.memref_slice %arg8[%dma_start3A_420, %dma_start3A_421, %dma_start3A_426] : memref<6x1x80xi32, #tpu.memory_space<vmem>> -> memref<1x1x80xi32, #tpu.memory_space<vmem>>
        %dma_start3A_428 = tpu.memref_squeeze %dma_start3A_427 : memref<1x1x80xi32, #tpu.memory_space<vmem>> -> memref<80xi32, #tpu.memory_space<vmem>>
        %dma_start3A_429 = tpu.memref_slice %arg2[%add3A_419] : memref<320000xi32, #tpu.memory_space<hbm>> -> memref<80xi32, #tpu.memory_space<hbm>>
        tpu.enqueue_dma source(%dma_start3A_429 : memref<80xi32, #tpu.memory_space<hbm>>) target(%dma_start3A_428 : memref<80xi32, #tpu.memory_space<vmem>>) target_semaphore(%arg22 : memref<!tpu.dma_semaphore, #tpu.memory_space<semaphore_mem>>)
        %dma_start3A_430 = arith.constant 2 : i32
        %dma_start3A_431 = arith.constant 0 : i32
        %dma_start3A_432 = arith.constant 0 : i32
        %dma_start3A_433 = tpu.memref_slice %arg9[%dma_start3A_430, %dma_start3A_431, %dma_start3A_432] : memref<6x1x80xi32, #tpu.memory_space<vmem>> -> memref<1x1x80xi32, #tpu.memory_space<vmem>>
        %dma_start3A_434 = tpu.memref_squeeze %dma_start3A_433 : memref<1x1x80xi32, #tpu.memory_space<vmem>> -> memref<80xi32, #tpu.memory_space<vmem>>
        %dma_start3A_435 = tpu.memref_slice %arg3[%add3A_419] : memref<320000xi32, #tpu.memory_space<hbm>> -> memref<80xi32, #tpu.memory_space<hbm>>
        %dma_start3A_436 = arith.constant 0 : i32
        %dma_start3A_437 = tpu.memref_slice %arg9[%dma_start3A_430, %dma_start3A_431, %dma_start3A_436] : memref<6x1x80xi32, #tpu.memory_space<vmem>> -> memref<1x1x80xi32, #tpu.memory_space<vmem>>
        %dma_start3A_438 = tpu.memref_squeeze %dma_start3A_437 : memref<1x1x80xi32, #tpu.memory_space<vmem>> -> memref<80xi32, #tpu.memory_space<vmem>>
        %dma_start3A_439 = tpu.memref_slice %arg3[%add3A_419] : memref<320000xi32, #tpu.memory_space<hbm>> -> memref<80xi32, #tpu.memory_space<hbm>>
        tpu.enqueue_dma source(%dma_start3A_439 : memref<80xi32, #tpu.memory_space<hbm>>) target(%dma_start3A_438 : memref<80xi32, #tpu.memory_space<vmem>>) target_semaphore(%arg22 : memref<!tpu.dma_semaphore, #tpu.memory_space<semaphore_mem>>)
      } else {
      }
      %add3A_346 = arith.constant 2 : i32
      %add3A_347 = arith.addi %add3A_325, %add3A_346 : i32
      %lt3A_348 = arith.constant 125 : i32
      %lt3A_349 = arith.cmpi slt, %add3A_347, %lt3A_348 : i32
      %convert_element_type3A_350 = arith.extui %lt3A_349 : i1 to i32
      %cond3A_351 = arith.constant 0 : i32
      %cond3A_352 = arith.cmpi ne, %convert_element_type3A_350, %cond3A_351 : i32
      scf.if %cond3A_352 {
        %dma_wait3A_415 = arith.constant 5 : i32
        %dma_wait3A_416 = arith.constant 0 : i32
        %dma_wait3A_417 = arith.constant 0 : i32
        %dma_wait3A_418 = tpu.memref_slice %arg8[%dma_wait3A_415, %dma_wait3A_416, %dma_wait3A_417] : memref<6x1x80xi32, #tpu.memory_space<vmem>> -> memref<1x1x80xi32, #tpu.memory_space<vmem>>
        %dma_wait3A_419 = tpu.memref_squeeze %dma_wait3A_418 : memref<1x1x80xi32, #tpu.memory_space<vmem>> -> memref<80xi32, #tpu.memory_space<vmem>>
        %dma_wait3A_420 = arith.constant 0 : i32
        %dma_wait3A_421 = tpu.memref_slice %arg2[%dma_wait3A_420] : memref<320000xi32, #tpu.memory_space<hbm>> -> memref<80xi32, #tpu.memory_space<hbm>>
        %dma_wait3A_422 = arith.constant 0 : i32
        %dma_wait3A_423 = tpu.memref_slice %arg8[%dma_wait3A_415, %dma_wait3A_416, %dma_wait3A_422] : memref<6x1x80xi32, #tpu.memory_space<vmem>> -> memref<1x1x80xi32, #tpu.memory_space<vmem>>
        %dma_wait3A_424 = tpu.memref_squeeze %dma_wait3A_423 : memref<1x1x80xi32, #tpu.memory_space<vmem>> -> memref<80xi32, #tpu.memory_space<vmem>>
        %dma_wait3A_425 = arith.constant 0 : i32
        %dma_wait3A_426 = tpu.memref_slice %arg2[%dma_wait3A_425] : memref<320000xi32, #tpu.memory_space<hbm>> -> memref<80xi32, #tpu.memory_space<hbm>>
        tpu.wait_dma2 semaphore(%arg25 : memref<!tpu.dma_semaphore, #tpu.memory_space<semaphore_mem>>) src(%dma_wait3A_426 : memref<80xi32, #tpu.memory_space<hbm>>) dst(%dma_wait3A_424 : memref<80xi32, #tpu.memory_space<vmem>>)
        %dma_wait3A_427 = arith.constant 5 : i32
        %dma_wait3A_428 = arith.constant 0 : i32
        %dma_wait3A_429 = arith.constant 0 : i32
        %dma_wait3A_430 = tpu.memref_slice %arg9[%dma_wait3A_427, %dma_wait3A_428, %dma_wait3A_429] : memref<6x1x80xi32, #tpu.memory_space<vmem>> -> memref<1x1x80xi32, #tpu.memory_space<vmem>>
        %dma_wait3A_431 = tpu.memref_squeeze %dma_wait3A_430 : memref<1x1x80xi32, #tpu.memory_space<vmem>> -> memref<80xi32, #tpu.memory_space<vmem>>
        %dma_wait3A_432 = arith.constant 0 : i32
        %dma_wait3A_433 = tpu.memref_slice %arg3[%dma_wait3A_432] : memref<320000xi32, #tpu.memory_space<hbm>> -> memref<80xi32, #tpu.memory_space<hbm>>
        %dma_wait3A_434 = arith.constant 0 : i32
        %dma_wait3A_435 = tpu.memref_slice %arg9[%dma_wait3A_427, %dma_wait3A_428, %dma_wait3A_434] : memref<6x1x80xi32, #tpu.memory_space<vmem>> -> memref<1x1x80xi32, #tpu.memory_space<vmem>>
        %dma_wait3A_436 = tpu.memref_squeeze %dma_wait3A_435 : memref<1x1x80xi32, #tpu.memory_space<vmem>> -> memref<80xi32, #tpu.memory_space<vmem>>
        %dma_wait3A_437 = arith.constant 0 : i32
        %dma_wait3A_438 = tpu.memref_slice %arg3[%dma_wait3A_437] : memref<320000xi32, #tpu.memory_space<hbm>> -> memref<80xi32, #tpu.memory_space<hbm>>
        tpu.wait_dma2 semaphore(%arg25 : memref<!tpu.dma_semaphore, #tpu.memory_space<semaphore_mem>>) src(%dma_wait3A_438 : memref<80xi32, #tpu.memory_space<hbm>>) dst(%dma_wait3A_436 : memref<80xi32, #tpu.memory_space<vmem>>)
        %dma_start3A_439 = arith.constant 5 : i32
        %dma_start3A_440 = arith.constant 0 : i32
        %dma_start3A_441 = arith.constant 0 : i32
        %dma_start3A_442 = tpu.memref_slice %arg8[%dma_start3A_439, %dma_start3A_440, %dma_start3A_441] : memref<6x1x80xi32, #tpu.memory_space<vmem>> -> memref<1x1x80xi32, #tpu.memory_space<vmem>>
        %dma_start3A_443 = tpu.memref_squeeze %dma_start3A_442 : memref<1x1x80xi32, #tpu.memory_space<vmem>> -> memref<80xi32, #tpu.memory_space<vmem>>
        %dma_start3A_444 = arith.constant 0 : i32
        %dma_start3A_445 = arith.constant 0 : i32
        %dma_start3A_446 = tpu.memref_slice %arg4[%dma_start3A_444, %dma_start3A_445] : memref<10000x128xf32, #tpu.memory_space<hbm>> -> memref<10000x128xf32, #tpu.memory_space<hbm>>
        tpu.enqueue_indirect_dma source(%dma_start3A_446 : memref<10000x128xf32, #tpu.memory_space<hbm>>) target(%arg12 : memref<80x128xf32, #tpu.memory_space<vmem>>) offsets(%dma_start3A_443 : memref<80xi32, #tpu.memory_space<vmem>>) semaphore(%arg16 : memref<!tpu.dma_semaphore, #tpu.memory_space<semaphore_mem>>)
      } else {
      }
      %mul3A_353 = arith.constant 6 : i32
      %mul3A_354 = arith.muli %add3A_234, %mul3A_353 : i32
      %add3A_355 = arith.constant 4 : i32
      %add3A_356 = arith.addi %mul3A_354, %add3A_355 : i32
      %ge3A_357 = arith.constant 1 : i32
      %ge3A_358 = arith.cmpi sge, %add3A_356, %ge3A_357 : i32
      %le3A_359 = arith.constant 125 : i32
      %le3A_360 = arith.cmpi sle, %add3A_356, %le3A_359 : i32
      %and3A_361 = arith.andi %ge3A_358, %le3A_360 : i1
      %convert_element_type3A_362 = arith.extui %and3A_361 : i1 to i32
      %cond3A_363 = arith.constant 0 : i32
      %cond3A_364 = arith.cmpi ne, %convert_element_type3A_362, %cond3A_363 : i32
      scf.if %cond3A_364 {
        %dma_wait3A_415 = arith.constant 3 : i32
        %dma_wait3A_416 = arith.constant 0 : i32
        %dma_wait3A_417 = arith.constant 0 : i32
        %dma_wait3A_418 = tpu.memref_slice %arg9[%dma_wait3A_415, %dma_wait3A_416, %dma_wait3A_417] : memref<6x1x80xi32, #tpu.memory_space<vmem>> -> memref<1x1x80xi32, #tpu.memory_space<vmem>>
        %dma_wait3A_419 = tpu.memref_squeeze %dma_wait3A_418 : memref<1x1x80xi32, #tpu.memory_space<vmem>> -> memref<80xi32, #tpu.memory_space<vmem>>
        %dma_wait3A_420 = arith.constant 0 : i32
        %dma_wait3A_421 = arith.constant 0 : i32
        %dma_wait3A_422 = tpu.memref_slice %arg7[%dma_wait3A_420, %dma_wait3A_421] : memref<10240x128xf32, #tpu.memory_space<vmem_shared>> -> memref<10240x128xf32, #tpu.memory_space<vmem_shared>>
        tpu.wait_indirect_dma semaphore(%arg17 : memref<!tpu.dma_semaphore, #tpu.memory_space<semaphore_mem>>) src(%arg10 : memref<80x128xf32, #tpu.memory_space<vmem>>) dst(%dma_wait3A_422 : memref<10240x128xf32, #tpu.memory_space<vmem_shared>>)
      } else {
      }
      %lt3A_365 = arith.constant 125 : i32
      %lt3A_366 = arith.cmpi slt, %add3A_356, %lt3A_365 : i32
      %convert_element_type3A_367 = arith.extui %lt3A_366 : i1 to i32
      %cond3A_368 = arith.constant 0 : i32
      %cond3A_369 = arith.cmpi ne, %convert_element_type3A_367, %cond3A_368 : i32
      scf.if %cond3A_369 {
        %dma_wait3A_415 = arith.constant 4 : i32
        %dma_wait3A_416 = arith.constant 0 : i32
        %dma_wait3A_417 = arith.constant 0 : i32
        %dma_wait3A_418 = tpu.memref_slice %arg8[%dma_wait3A_415, %dma_wait3A_416, %dma_wait3A_417] : memref<6x1x80xi32, #tpu.memory_space<vmem>> -> memref<1x1x80xi32, #tpu.memory_space<vmem>>
        %dma_wait3A_419 = tpu.memref_squeeze %dma_wait3A_418 : memref<1x1x80xi32, #tpu.memory_space<vmem>> -> memref<80xi32, #tpu.memory_space<vmem>>
        %dma_wait3A_420 = arith.constant 0 : i32
        %dma_wait3A_421 = arith.constant 0 : i32
        %dma_wait3A_422 = tpu.memref_slice %arg4[%dma_wait3A_420, %dma_wait3A_421] : memref<10000x128xf32, #tpu.memory_space<hbm>> -> memref<10000x128xf32, #tpu.memory_space<hbm>>
        tpu.wait_indirect_dma semaphore(%arg15 : memref<!tpu.dma_semaphore, #tpu.memory_space<semaphore_mem>>) src(%dma_wait3A_422 : memref<10000x128xf32, #tpu.memory_space<hbm>>) dst(%arg11 : memref<80x128xf32, #tpu.memory_space<vmem>>)
        %dma_start3A_423 = arith.constant 4 : i32
        %dma_start3A_424 = arith.constant 0 : i32
        %dma_start3A_425 = arith.constant 0 : i32
        %dma_start3A_426 = tpu.memref_slice %arg9[%dma_start3A_423, %dma_start3A_424, %dma_start3A_425] : memref<6x1x80xi32, #tpu.memory_space<vmem>> -> memref<1x1x80xi32, #tpu.memory_space<vmem>>
        %dma_start3A_427 = tpu.memref_squeeze %dma_start3A_426 : memref<1x1x80xi32, #tpu.memory_space<vmem>> -> memref<80xi32, #tpu.memory_space<vmem>>
        %dma_start3A_428 = arith.constant 0 : i32
        %dma_start3A_429 = arith.constant 0 : i32
        %dma_start3A_430 = tpu.memref_slice %arg7[%dma_start3A_428, %dma_start3A_429] : memref<10240x128xf32, #tpu.memory_space<vmem_shared>> -> memref<10240x128xf32, #tpu.memory_space<vmem_shared>>
        tpu.enqueue_indirect_dma source(%arg11 : memref<80x128xf32, #tpu.memory_space<vmem>>) target(%dma_start3A_430 : memref<10240x128xf32, #tpu.memory_space<vmem_shared>>) offsets(%dma_start3A_427 : memref<80xi32, #tpu.memory_space<vmem>>) semaphore(%arg18 : memref<!tpu.dma_semaphore, #tpu.memory_space<semaphore_mem>>) {add = true}
        %scan3A_431 = arith.constant 0 : i32
        %scan3A_432 = arith.constant 5 : i32
        %scan3A_433 = arith.addi %scan3A_431, %scan3A_432 : i32
        %scan3A_434 = arith.constant 1 : i32
        scf.for %scan3A_436 = %scan3A_431 to %scan3A_433 step %scan3A_434  : i32 {
          %mul3A_437 = arith.constant 1 : i32
          %mul3A_438 = arith.muli %scan3A_436, %mul3A_437 : i32
          %add3A_439 = arith.constant 0 : i32
          %add3A_440 = arith.addi %add3A_439, %mul3A_438 : i32
          %mul3A_441 = arith.constant 16 : i32
          %mul3A_442 = arith.muli %add3A_440, %mul3A_441 : i32
          %get3A = arith.constant 4 : i32
          %get3A_443 = arith.constant 0 : i32
          %get3A_444 = arith.index_cast %get3A : i32 to index
          %get3A_445 = arith.index_cast %get3A_443 : i32 to index
          %get3A_446 = arith.index_cast %mul3A_442 : i32 to index
          %get3A_447 = tpu.vector_load %arg9[%get3A_444, %get3A_445, %get3A_446] {strides = array<i32>} : memref<6x1x80xi32, #tpu.memory_space<vmem>>, vector<16xi32>,
          %broadcast_in_dim3A = arith.constant true
          %broadcast_in_dim3A_448 = vector.broadcast %broadcast_in_dim3A : i1 to vector<16xi1>
          %unique3A, %unique3A_449 = tpu.scan_count mask(%broadcast_in_dim3A_448 : vector<16xi1>) value(%get3A_447 : vector<16xi32>) : vector<16xi1>, vector<16xi32>
          %convert_element_type3A_450 = arith.sitofp %unique3A_449 : vector<16xi32> to vector<16xf32>
          tpu.vector_store_idx %arg13[%get3A_447], %convert_element_type3A_450 masked %unique3A {add = true} : memref<10240xf32, #tpu.memory_space<vmem>>[vector<16xi32>], vector<16xf32>, vector<16xi1>
        }
        %scan3A_435 = arith.constant 5 : i32
      } else {
      }
      %add3A_370 = arith.constant 5 : i32
      %add3A_371 = arith.addi %add3A_356, %add3A_370 : i32
      %lt3A_372 = arith.constant 125 : i32
      %lt3A_373 = arith.cmpi slt, %add3A_371, %lt3A_372 : i32
      %convert_element_type3A_374 = arith.extui %lt3A_373 : i1 to i32
      %cond3A_375 = arith.constant 0 : i32
      %cond3A_376 = arith.cmpi ne, %convert_element_type3A_374, %cond3A_375 : i32
      scf.if %cond3A_376 {
        %add3A_415 = arith.constant 5 : i32
        %add3A_416 = arith.addi %add3A_356, %add3A_415 : i32
        %mul3A_417 = arith.constant 80 : i32
        %mul3A_418 = arith.muli %add3A_416, %mul3A_417 : i32
        %add3A_419 = arith.addi %mul3A_18, %mul3A_418 : i32
        %dma_start3A_420 = arith.constant 3 : i32
        %dma_start3A_421 = arith.constant 0 : i32
        %dma_start3A_422 = arith.constant 0 : i32
        %dma_start3A_423 = tpu.memref_slice %arg8[%dma_start3A_420, %dma_start3A_421, %dma_start3A_422] : memref<6x1x80xi32, #tpu.memory_space<vmem>> -> memref<1x1x80xi32, #tpu.memory_space<vmem>>
        %dma_start3A_424 = tpu.memref_squeeze %dma_start3A_423 : memref<1x1x80xi32, #tpu.memory_space<vmem>> -> memref<80xi32, #tpu.memory_space<vmem>>
        %dma_start3A_425 = tpu.memref_slice %arg2[%add3A_419] : memref<320000xi32, #tpu.memory_space<hbm>> -> memref<80xi32, #tpu.memory_space<hbm>>
        %dma_start3A_426 = arith.constant 0 : i32
        %dma_start3A_427 = tpu.memref_slice %arg8[%dma_start3A_420, %dma_start3A_421, %dma_start3A_426] : memref<6x1x80xi32, #tpu.memory_space<vmem>> -> memref<1x1x80xi32, #tpu.memory_space<vmem>>
        %dma_start3A_428 = tpu.memref_squeeze %dma_start3A_427 : memref<1x1x80xi32, #tpu.memory_space<vmem>> -> memref<80xi32, #tpu.memory_space<vmem>>
        %dma_start3A_429 = tpu.memref_slice %arg2[%add3A_419] : memref<320000xi32, #tpu.memory_space<hbm>> -> memref<80xi32, #tpu.memory_space<hbm>>
        tpu.enqueue_dma source(%dma_start3A_429 : memref<80xi32, #tpu.memory_space<hbm>>) target(%dma_start3A_428 : memref<80xi32, #tpu.memory_space<vmem>>) target_semaphore(%arg23 : memref<!tpu.dma_semaphore, #tpu.memory_space<semaphore_mem>>)
        %dma_start3A_430 = arith.constant 3 : i32
        %dma_start3A_431 = arith.constant 0 : i32
        %dma_start3A_432 = arith.constant 0 : i32
        %dma_start3A_433 = tpu.memref_slice %arg9[%dma_start3A_430, %dma_start3A_431, %dma_start3A_432] : memref<6x1x80xi32, #tpu.memory_space<vmem>> -> memref<1x1x80xi32, #tpu.memory_space<vmem>>
        %dma_start3A_434 = tpu.memref_squeeze %dma_start3A_433 : memref<1x1x80xi32, #tpu.memory_space<vmem>> -> memref<80xi32, #tpu.memory_space<vmem>>
        %dma_start3A_435 = tpu.memref_slice %arg3[%add3A_419] : memref<320000xi32, #tpu.memory_space<hbm>> -> memref<80xi32, #tpu.memory_space<hbm>>
        %dma_start3A_436 = arith.constant 0 : i32
        %dma_start3A_437 = tpu.memref_slice %arg9[%dma_start3A_430, %dma_start3A_431, %dma_start3A_436] : memref<6x1x80xi32, #tpu.memory_space<vmem>> -> memref<1x1x80xi32, #tpu.memory_space<vmem>>
        %dma_start3A_438 = tpu.memref_squeeze %dma_start3A_437 : memref<1x1x80xi32, #tpu.memory_space<vmem>> -> memref<80xi32, #tpu.memory_space<vmem>>
        %dma_start3A_439 = tpu.memref_slice %arg3[%add3A_419] : memref<320000xi32, #tpu.memory_space<hbm>> -> memref<80xi32, #tpu.memory_space<hbm>>
        tpu.enqueue_dma source(%dma_start3A_439 : memref<80xi32, #tpu.memory_space<hbm>>) target(%dma_start3A_438 : memref<80xi32, #tpu.memory_space<vmem>>) target_semaphore(%arg23 : memref<!tpu.dma_semaphore, #tpu.memory_space<semaphore_mem>>)
      } else {
      }
      %add3A_377 = arith.constant 2 : i32
      %add3A_378 = arith.addi %add3A_356, %add3A_377 : i32
      %lt3A_379 = arith.constant 125 : i32
      %lt3A_380 = arith.cmpi slt, %add3A_378, %lt3A_379 : i32
      %convert_element_type3A_381 = arith.extui %lt3A_380 : i1 to i32
      %cond3A_382 = arith.constant 0 : i32
      %cond3A_383 = arith.cmpi ne, %convert_element_type3A_381, %cond3A_382 : i32
      scf.if %cond3A_383 {
        %dma_wait3A_415 = arith.constant 0 : i32
        %dma_wait3A_416 = arith.constant 0 : i32
        %dma_wait3A_417 = arith.constant 0 : i32
        %dma_wait3A_418 = tpu.memref_slice %arg8[%dma_wait3A_415, %dma_wait3A_416, %dma_wait3A_417] : memref<6x1x80xi32, #tpu.memory_space<vmem>> -> memref<1x1x80xi32, #tpu.memory_space<vmem>>
        %dma_wait3A_419 = tpu.memref_squeeze %dma_wait3A_418 : memref<1x1x80xi32, #tpu.memory_space<vmem>> -> memref<80xi32, #tpu.memory_space<vmem>>
        %dma_wait3A_420 = arith.constant 0 : i32
        %dma_wait3A_421 = tpu.memref_slice %arg2[%dma_wait3A_420] : memref<320000xi32, #tpu.memory_space<hbm>> -> memref<80xi32, #tpu.memory_space<hbm>>
        %dma_wait3A_422 = arith.constant 0 : i32
        %dma_wait3A_423 = tpu.memref_slice %arg8[%dma_wait3A_415, %dma_wait3A_416, %dma_wait3A_422] : memref<6x1x80xi32, #tpu.memory_space<vmem>> -> memref<1x1x80xi32, #tpu.memory_space<vmem>>
        %dma_wait3A_424 = tpu.memref_squeeze %dma_wait3A_423 : memref<1x1x80xi32, #tpu.memory_space<vmem>> -> memref<80xi32, #tpu.memory_space<vmem>>
        %dma_wait3A_425 = arith.constant 0 : i32
        %dma_wait3A_426 = tpu.memref_slice %arg2[%dma_wait3A_425] : memref<320000xi32, #tpu.memory_space<hbm>> -> memref<80xi32, #tpu.memory_space<hbm>>
        tpu.wait_dma2 semaphore(%arg20 : memref<!tpu.dma_semaphore, #tpu.memory_space<semaphore_mem>>) src(%dma_wait3A_426 : memref<80xi32, #tpu.memory_space<hbm>>) dst(%dma_wait3A_424 : memref<80xi32, #tpu.memory_space<vmem>>)
        %dma_wait3A_427 = arith.constant 0 : i32
        %dma_wait3A_428 = arith.constant 0 : i32
        %dma_wait3A_429 = arith.constant 0 : i32
        %dma_wait3A_430 = tpu.memref_slice %arg9[%dma_wait3A_427, %dma_wait3A_428, %dma_wait3A_429] : memref<6x1x80xi32, #tpu.memory_space<vmem>> -> memref<1x1x80xi32, #tpu.memory_space<vmem>>
        %dma_wait3A_431 = tpu.memref_squeeze %dma_wait3A_430 : memref<1x1x80xi32, #tpu.memory_space<vmem>> -> memref<80xi32, #tpu.memory_space<vmem>>
        %dma_wait3A_432 = arith.constant 0 : i32
        %dma_wait3A_433 = tpu.memref_slice %arg3[%dma_wait3A_432] : memref<320000xi32, #tpu.memory_space<hbm>> -> memref<80xi32, #tpu.memory_space<hbm>>
        %dma_wait3A_434 = arith.constant 0 : i32
        %dma_wait3A_435 = tpu.memref_slice %arg9[%dma_wait3A_427, %dma_wait3A_428, %dma_wait3A_434] : memref<6x1x80xi32, #tpu.memory_space<vmem>> -> memref<1x1x80xi32, #tpu.memory_space<vmem>>
        %dma_wait3A_436 = tpu.memref_squeeze %dma_wait3A_435 : memref<1x1x80xi32, #tpu.memory_space<vmem>> -> memref<80xi32, #tpu.memory_space<vmem>>
        %dma_wait3A_437 = arith.constant 0 : i32
        %dma_wait3A_438 = tpu.memref_slice %arg3[%dma_wait3A_437] : memref<320000xi32, #tpu.memory_space<hbm>> -> memref<80xi32, #tpu.memory_space<hbm>>
        tpu.wait_dma2 semaphore(%arg20 : memref<!tpu.dma_semaphore, #tpu.memory_space<semaphore_mem>>) src(%dma_wait3A_438 : memref<80xi32, #tpu.memory_space<hbm>>) dst(%dma_wait3A_436 : memref<80xi32, #tpu.memory_space<vmem>>)
        %dma_start3A_439 = arith.constant 0 : i32
        %dma_start3A_440 = arith.constant 0 : i32
        %dma_start3A_441 = arith.constant 0 : i32
        %dma_start3A_442 = tpu.memref_slice %arg8[%dma_start3A_439, %dma_start3A_440, %dma_start3A_441] : memref<6x1x80xi32, #tpu.memory_space<vmem>> -> memref<1x1x80xi32, #tpu.memory_space<vmem>>
        %dma_start3A_443 = tpu.memref_squeeze %dma_start3A_442 : memref<1x1x80xi32, #tpu.memory_space<vmem>> -> memref<80xi32, #tpu.memory_space<vmem>>
        %dma_start3A_444 = arith.constant 0 : i32
        %dma_start3A_445 = arith.constant 0 : i32
        %dma_start3A_446 = tpu.memref_slice %arg4[%dma_start3A_444, %dma_start3A_445] : memref<10000x128xf32, #tpu.memory_space<hbm>> -> memref<10000x128xf32, #tpu.memory_space<hbm>>
        tpu.enqueue_indirect_dma source(%dma_start3A_446 : memref<10000x128xf32, #tpu.memory_space<hbm>>) target(%arg10 : memref<80x128xf32, #tpu.memory_space<vmem>>) offsets(%dma_start3A_443 : memref<80xi32, #tpu.memory_space<vmem>>) semaphore(%arg14 : memref<!tpu.dma_semaphore, #tpu.memory_space<semaphore_mem>>)
      } else {
      }
      %mul3A_384 = arith.constant 6 : i32
      %mul3A_385 = arith.muli %add3A_234, %mul3A_384 : i32
      %add3A_386 = arith.constant 5 : i32
      %add3A_387 = arith.addi %mul3A_385, %add3A_386 : i32
      %ge3A_388 = arith.constant 1 : i32
      %ge3A_389 = arith.cmpi sge, %add3A_387, %ge3A_388 : i32
      %le3A_390 = arith.constant 125 : i32
      %le3A_391 = arith.cmpi sle, %add3A_387, %le3A_390 : i32
      %and3A_392 = arith.andi %ge3A_389, %le3A_391 : i1
      %convert_element_type3A_393 = arith.extui %and3A_392 : i1 to i32
      %cond3A_394 = arith.constant 0 : i32
      %cond3A_395 = arith.cmpi ne, %convert_element_type3A_393, %cond3A_394 : i32
      scf.if %cond3A_395 {
        %dma_wait3A_415 = arith.constant 4 : i32
        %dma_wait3A_416 = arith.constant 0 : i32
        %dma_wait3A_417 = arith.constant 0 : i32
        %dma_wait3A_418 = tpu.memref_slice %arg9[%dma_wait3A_415, %dma_wait3A_416, %dma_wait3A_417] : memref<6x1x80xi32, #tpu.memory_space<vmem>> -> memref<1x1x80xi32, #tpu.memory_space<vmem>>
        %dma_wait3A_419 = tpu.memref_squeeze %dma_wait3A_418 : memref<1x1x80xi32, #tpu.memory_space<vmem>> -> memref<80xi32, #tpu.memory_space<vmem>>
        %dma_wait3A_420 = arith.constant 0 : i32
        %dma_wait3A_421 = arith.constant 0 : i32
        %dma_wait3A_422 = tpu.memref_slice %arg7[%dma_wait3A_420, %dma_wait3A_421] : memref<10240x128xf32, #tpu.memory_space<vmem_shared>> -> memref<10240x128xf32, #tpu.memory_space<vmem_shared>>
        tpu.wait_indirect_dma semaphore(%arg18 : memref<!tpu.dma_semaphore, #tpu.memory_space<semaphore_mem>>) src(%arg11 : memref<80x128xf32, #tpu.memory_space<vmem>>) dst(%dma_wait3A_422 : memref<10240x128xf32, #tpu.memory_space<vmem_shared>>)
      } else {
      }
      %lt3A_396 = arith.constant 125 : i32
      %lt3A_397 = arith.cmpi slt, %add3A_387, %lt3A_396 : i32
      %convert_element_type3A_398 = arith.extui %lt3A_397 : i1 to i32
      %cond3A_399 = arith.constant 0 : i32
      %cond3A_400 = arith.cmpi ne, %convert_element_type3A_398, %cond3A_399 : i32
      scf.if %cond3A_400 {
        %dma_wait3A_415 = arith.constant 5 : i32
        %dma_wait3A_416 = arith.constant 0 : i32
        %dma_wait3A_417 = arith.constant 0 : i32
        %dma_wait3A_418 = tpu.memref_slice %arg8[%dma_wait3A_415, %dma_wait3A_416, %dma_wait3A_417] : memref<6x1x80xi32, #tpu.memory_space<vmem>> -> memref<1x1x80xi32, #tpu.memory_space<vmem>>
        %dma_wait3A_419 = tpu.memref_squeeze %dma_wait3A_418 : memref<1x1x80xi32, #tpu.memory_space<vmem>> -> memref<80xi32, #tpu.memory_space<vmem>>
        %dma_wait3A_420 = arith.constant 0 : i32
        %dma_wait3A_421 = arith.constant 0 : i32
        %dma_wait3A_422 = tpu.memref_slice %arg4[%dma_wait3A_420, %dma_wait3A_421] : memref<10000x128xf32, #tpu.memory_space<hbm>> -> memref<10000x128xf32, #tpu.memory_space<hbm>>
        tpu.wait_indirect_dma semaphore(%arg16 : memref<!tpu.dma_semaphore, #tpu.memory_space<semaphore_mem>>) src(%dma_wait3A_422 : memref<10000x128xf32, #tpu.memory_space<hbm>>) dst(%arg12 : memref<80x128xf32, #tpu.memory_space<vmem>>)
        %dma_start3A_423 = arith.constant 5 : i32
        %dma_start3A_424 = arith.constant 0 : i32
        %dma_start3A_425 = arith.constant 0 : i32
        %dma_start3A_426 = tpu.memref_slice %arg9[%dma_start3A_423, %dma_start3A_424, %dma_start3A_425] : memref<6x1x80xi32, #tpu.memory_space<vmem>> -> memref<1x1x80xi32, #tpu.memory_space<vmem>>
        %dma_start3A_427 = tpu.memref_squeeze %dma_start3A_426 : memref<1x1x80xi32, #tpu.memory_space<vmem>> -> memref<80xi32, #tpu.memory_space<vmem>>
        %dma_start3A_428 = arith.constant 0 : i32
        %dma_start3A_429 = arith.constant 0 : i32
        %dma_start3A_430 = tpu.memref_slice %arg7[%dma_start3A_428, %dma_start3A_429] : memref<10240x128xf32, #tpu.memory_space<vmem_shared>> -> memref<10240x128xf32, #tpu.memory_space<vmem_shared>>
        tpu.enqueue_indirect_dma source(%arg12 : memref<80x128xf32, #tpu.memory_space<vmem>>) target(%dma_start3A_430 : memref<10240x128xf32, #tpu.memory_space<vmem_shared>>) offsets(%dma_start3A_427 : memref<80xi32, #tpu.memory_space<vmem>>) semaphore(%arg19 : memref<!tpu.dma_semaphore, #tpu.memory_space<semaphore_mem>>) {add = true}
        %scan3A_431 = arith.constant 0 : i32
        %scan3A_432 = arith.constant 5 : i32
        %scan3A_433 = arith.addi %scan3A_431, %scan3A_432 : i32
        %scan3A_434 = arith.constant 1 : i32
        scf.for %scan3A_436 = %scan3A_431 to %scan3A_433 step %scan3A_434  : i32 {
          %mul3A_437 = arith.constant 1 : i32
          %mul3A_438 = arith.muli %scan3A_436, %mul3A_437 : i32
          %add3A_439 = arith.constant 0 : i32
          %add3A_440 = arith.addi %add3A_439, %mul3A_438 : i32
          %mul3A_441 = arith.constant 16 : i32
          %mul3A_442 = arith.muli %add3A_440, %mul3A_441 : i32
          %get3A = arith.constant 5 : i32
          %get3A_443 = arith.constant 0 : i32
          %get3A_444 = arith.index_cast %get3A : i32 to index
          %get3A_445 = arith.index_cast %get3A_443 : i32 to index
          %get3A_446 = arith.index_cast %mul3A_442 : i32 to index
          %get3A_447 = tpu.vector_load %arg9[%get3A_444, %get3A_445, %get3A_446] {strides = array<i32>} : memref<6x1x80xi32, #tpu.memory_space<vmem>>, vector<16xi32>,
          %broadcast_in_dim3A = arith.constant true
          %broadcast_in_dim3A_448 = vector.broadcast %broadcast_in_dim3A : i1 to vector<16xi1>
          %unique3A, %unique3A_449 = tpu.scan_count mask(%broadcast_in_dim3A_448 : vector<16xi1>) value(%get3A_447 : vector<16xi32>) : vector<16xi1>, vector<16xi32>
          %convert_element_type3A_450 = arith.sitofp %unique3A_449 : vector<16xi32> to vector<16xf32>
          tpu.vector_store_idx %arg13[%get3A_447], %convert_element_type3A_450 masked %unique3A {add = true} : memref<10240xf32, #tpu.memory_space<vmem>>[vector<16xi32>], vector<16xf32>, vector<16xi1>
        }
        %scan3A_435 = arith.constant 5 : i32
      } else {
      }
      %add3A_401 = arith.constant 5 : i32
      %add3A_402 = arith.addi %add3A_387, %add3A_401 : i32
      %lt3A_403 = arith.constant 125 : i32
      %lt3A_404 = arith.cmpi slt, %add3A_402, %lt3A_403 : i32
      %convert_element_type3A_405 = arith.extui %lt3A_404 : i1 to i32
      %cond3A_406 = arith.constant 0 : i32
      %cond3A_407 = arith.cmpi ne, %convert_element_type3A_405, %cond3A_406 : i32
      scf.if %cond3A_407 {
        %add3A_415 = arith.constant 5 : i32
        %add3A_416 = arith.addi %add3A_387, %add3A_415 : i32
        %mul3A_417 = arith.constant 80 : i32
        %mul3A_418 = arith.muli %add3A_416, %mul3A_417 : i32
        %add3A_419 = arith.addi %mul3A_18, %mul3A_418 : i32
        %dma_start3A_420 = arith.constant 4 : i32
        %dma_start3A_421 = arith.constant 0 : i32
        %dma_start3A_422 = arith.constant 0 : i32
        %dma_start3A_423 = tpu.memref_slice %arg8[%dma_start3A_420, %dma_start3A_421, %dma_start3A_422] : memref<6x1x80xi32, #tpu.memory_space<vmem>> -> memref<1x1x80xi32, #tpu.memory_space<vmem>>
        %dma_start3A_424 = tpu.memref_squeeze %dma_start3A_423 : memref<1x1x80xi32, #tpu.memory_space<vmem>> -> memref<80xi32, #tpu.memory_space<vmem>>
        %dma_start3A_425 = tpu.memref_slice %arg2[%add3A_419] : memref<320000xi32, #tpu.memory_space<hbm>> -> memref<80xi32, #tpu.memory_space<hbm>>
        %dma_start3A_426 = arith.constant 0 : i32
        %dma_start3A_427 = tpu.memref_slice %arg8[%dma_start3A_420, %dma_start3A_421, %dma_start3A_426] : memref<6x1x80xi32, #tpu.memory_space<vmem>> -> memref<1x1x80xi32, #tpu.memory_space<vmem>>
        %dma_start3A_428 = tpu.memref_squeeze %dma_start3A_427 : memref<1x1x80xi32, #tpu.memory_space<vmem>> -> memref<80xi32, #tpu.memory_space<vmem>>
        %dma_start3A_429 = tpu.memref_slice %arg2[%add3A_419] : memref<320000xi32, #tpu.memory_space<hbm>> -> memref<80xi32, #tpu.memory_space<hbm>>
        tpu.enqueue_dma source(%dma_start3A_429 : memref<80xi32, #tpu.memory_space<hbm>>) target(%dma_start3A_428 : memref<80xi32, #tpu.memory_space<vmem>>) target_semaphore(%arg24 : memref<!tpu.dma_semaphore, #tpu.memory_space<semaphore_mem>>)
        %dma_start3A_430 = arith.constant 4 : i32
        %dma_start3A_431 = arith.constant 0 : i32
        %dma_start3A_432 = arith.constant 0 : i32
        %dma_start3A_433 = tpu.memref_slice %arg9[%dma_start3A_430, %dma_start3A_431, %dma_start3A_432] : memref<6x1x80xi32, #tpu.memory_space<vmem>> -> memref<1x1x80xi32, #tpu.memory_space<vmem>>
        %dma_start3A_434 = tpu.memref_squeeze %dma_start3A_433 : memref<1x1x80xi32, #tpu.memory_space<vmem>> -> memref<80xi32, #tpu.memory_space<vmem>>
        %dma_start3A_435 = tpu.memref_slice %arg3[%add3A_419] : memref<320000xi32, #tpu.memory_space<hbm>> -> memref<80xi32, #tpu.memory_space<hbm>>
        %dma_start3A_436 = arith.constant 0 : i32
        %dma_start3A_437 = tpu.memref_slice %arg9[%dma_start3A_430, %dma_start3A_431, %dma_start3A_436] : memref<6x1x80xi32, #tpu.memory_space<vmem>> -> memref<1x1x80xi32, #tpu.memory_space<vmem>>
        %dma_start3A_438 = tpu.memref_squeeze %dma_start3A_437 : memref<1x1x80xi32, #tpu.memory_space<vmem>> -> memref<80xi32, #tpu.memory_space<vmem>>
        %dma_start3A_439 = tpu.memref_slice %arg3[%add3A_419] : memref<320000xi32, #tpu.memory_space<hbm>> -> memref<80xi32, #tpu.memory_space<hbm>>
        tpu.enqueue_dma source(%dma_start3A_439 : memref<80xi32, #tpu.memory_space<hbm>>) target(%dma_start3A_438 : memref<80xi32, #tpu.memory_space<vmem>>) target_semaphore(%arg24 : memref<!tpu.dma_semaphore, #tpu.memory_space<semaphore_mem>>)
      } else {
      }
      %add3A_408 = arith.constant 2 : i32
      %add3A_409 = arith.addi %add3A_387, %add3A_408 : i32
      %lt3A_410 = arith.constant 125 : i32
      %lt3A_411 = arith.cmpi slt, %add3A_409, %lt3A_410 : i32
      %convert_element_type3A_412 = arith.extui %lt3A_411 : i1 to i32
      %cond3A_413 = arith.constant 0 : i32
      %cond3A_414 = arith.cmpi ne, %convert_element_type3A_412, %cond3A_413 : i32
      scf.if %cond3A_414 {
        %dma_wait3A_415 = arith.constant 1 : i32
        %dma_wait3A_416 = arith.constant 0 : i32
        %dma_wait3A_417 = arith.constant 0 : i32
        %dma_wait3A_418 = tpu.memref_slice %arg8[%dma_wait3A_415, %dma_wait3A_416, %dma_wait3A_417] : memref<6x1x80xi32, #tpu.memory_space<vmem>> -> memref<1x1x80xi32, #tpu.memory_space<vmem>>
        %dma_wait3A_419 = tpu.memref_squeeze %dma_wait3A_418 : memref<1x1x80xi32, #tpu.memory_space<vmem>> -> memref<80xi32, #tpu.memory_space<vmem>>
        %dma_wait3A_420 = arith.constant 0 : i32
        %dma_wait3A_421 = tpu.memref_slice %arg2[%dma_wait3A_420] : memref<320000xi32, #tpu.memory_space<hbm>> -> memref<80xi32, #tpu.memory_space<hbm>>
        %dma_wait3A_422 = arith.constant 0 : i32
        %dma_wait3A_423 = tpu.memref_slice %arg8[%dma_wait3A_415, %dma_wait3A_416, %dma_wait3A_422] : memref<6x1x80xi32, #tpu.memory_space<vmem>> -> memref<1x1x80xi32, #tpu.memory_space<vmem>>
        %dma_wait3A_424 = tpu.memref_squeeze %dma_wait3A_423 : memref<1x1x80xi32, #tpu.memory_space<vmem>> -> memref<80xi32, #tpu.memory_space<vmem>>
        %dma_wait3A_425 = arith.constant 0 : i32
        %dma_wait3A_426 = tpu.memref_slice %arg2[%dma_wait3A_425] : memref<320000xi32, #tpu.memory_space<hbm>> -> memref<80xi32, #tpu.memory_space<hbm>>
        tpu.wait_dma2 semaphore(%arg21 : memref<!tpu.dma_semaphore, #tpu.memory_space<semaphore_mem>>) src(%dma_wait3A_426 : memref<80xi32, #tpu.memory_space<hbm>>) dst(%dma_wait3A_424 : memref<80xi32, #tpu.memory_space<vmem>>)
        %dma_wait3A_427 = arith.constant 1 : i32
        %dma_wait3A_428 = arith.constant 0 : i32
        %dma_wait3A_429 = arith.constant 0 : i32
        %dma_wait3A_430 = tpu.memref_slice %arg9[%dma_wait3A_427, %dma_wait3A_428, %dma_wait3A_429] : memref<6x1x80xi32, #tpu.memory_space<vmem>> -> memref<1x1x80xi32, #tpu.memory_space<vmem>>
        %dma_wait3A_431 = tpu.memref_squeeze %dma_wait3A_430 : memref<1x1x80xi32, #tpu.memory_space<vmem>> -> memref<80xi32, #tpu.memory_space<vmem>>
        %dma_wait3A_432 = arith.constant 0 : i32
        %dma_wait3A_433 = tpu.memref_slice %arg3[%dma_wait3A_432] : memref<320000xi32, #tpu.memory_space<hbm>> -> memref<80xi32, #tpu.memory_space<hbm>>
        %dma_wait3A_434 = arith.constant 0 : i32
        %dma_wait3A_435 = tpu.memref_slice %arg9[%dma_wait3A_427, %dma_wait3A_428, %dma_wait3A_434] : memref<6x1x80xi32, #tpu.memory_space<vmem>> -> memref<1x1x80xi32, #tpu.memory_space<vmem>>
        %dma_wait3A_436 = tpu.memref_squeeze %dma_wait3A_435 : memref<1x1x80xi32, #tpu.memory_space<vmem>> -> memref<80xi32, #tpu.memory_space<vmem>>
        %dma_wait3A_437 = arith.constant 0 : i32
        %dma_wait3A_438 = tpu.memref_slice %arg3[%dma_wait3A_437] : memref<320000xi32, #tpu.memory_space<hbm>> -> memref<80xi32, #tpu.memory_space<hbm>>
        tpu.wait_dma2 semaphore(%arg21 : memref<!tpu.dma_semaphore, #tpu.memory_space<semaphore_mem>>) src(%dma_wait3A_438 : memref<80xi32, #tpu.memory_space<hbm>>) dst(%dma_wait3A_436 : memref<80xi32, #tpu.memory_space<vmem>>)
        %dma_start3A_439 = arith.constant 1 : i32
        %dma_start3A_440 = arith.constant 0 : i32
        %dma_start3A_441 = arith.constant 0 : i32
        %dma_start3A_442 = tpu.memref_slice %arg8[%dma_start3A_439, %dma_start3A_440, %dma_start3A_441] : memref<6x1x80xi32, #tpu.memory_space<vmem>> -> memref<1x1x80xi32, #tpu.memory_space<vmem>>
        %dma_start3A_443 = tpu.memref_squeeze %dma_start3A_442 : memref<1x1x80xi32, #tpu.memory_space<vmem>> -> memref<80xi32, #tpu.memory_space<vmem>>
        %dma_start3A_444 = arith.constant 0 : i32
        %dma_start3A_445 = arith.constant 0 : i32
        %dma_start3A_446 = tpu.memref_slice %arg4[%dma_start3A_444, %dma_start3A_445] : memref<10000x128xf32, #tpu.memory_space<hbm>> -> memref<10000x128xf32, #tpu.memory_space<hbm>>
        tpu.enqueue_indirect_dma source(%dma_start3A_446 : memref<10000x128xf32, #tpu.memory_space<hbm>>) target(%arg11 : memref<80x128xf32, #tpu.memory_space<vmem>>) offsets(%dma_start3A_443 : memref<80xi32, #tpu.memory_space<vmem>>) semaphore(%arg15 : memref<!tpu.dma_semaphore, #tpu.memory_space<semaphore_mem>>)
      } else {
      }
    }
    %scan3A_200 = arith.constant 21 : i32
    %dma_start3A_201 = arith.constant 0 : i32
    %dma_start3A_202 = arith.constant 0 : i32
    %dma_start3A_203 = tpu.memref_slice %arg6[%arg0, %dma_start3A_201, %dma_start3A_202] : memref<2x16x10240xf32, #tpu.memory_space<hbm>> -> memref<1x16x10240xf32, #tpu.memory_space<hbm>>
    %dma_start3A_204 = tpu.memref_squeeze %dma_start3A_203 : memref<1x16x10240xf32, #tpu.memory_space<hbm>> -> memref<16x10240xf32, #tpu.memory_space<hbm>>
    %dma_start3A_205 = arith.constant 0 : i32
    %dma_start3A_206 = tpu.memref_slice %dma_start3A_204[%arg1, %dma_start3A_205] : memref<16x10240xf32, #tpu.memory_space<hbm>> -> memref<1x10240xf32, #tpu.memory_space<hbm>>
    %dma_start3A_207 = tpu.memref_squeeze %dma_start3A_206 : memref<1x10240xf32, #tpu.memory_space<hbm>> -> memref<10240xf32, #tpu.memory_space<hbm>>
    %dma_start3A_208 = arith.constant 0 : i32
    %dma_start3A_209 = arith.constant 0 : i32
    %dma_start3A_210 = tpu.memref_slice %arg6[%arg0, %dma_start3A_208, %dma_start3A_209] : memref<2x16x10240xf32, #tpu.memory_space<hbm>> -> memref<1x16x10240xf32, #tpu.memory_space<hbm>>
    %dma_start3A_211 = tpu.memref_squeeze %dma_start3A_210 : memref<1x16x10240xf32, #tpu.memory_space<hbm>> -> memref<16x10240xf32, #tpu.memory_space<hbm>>
    %dma_start3A_212 = arith.constant 0 : i32
    %dma_start3A_213 = tpu.memref_slice %dma_start3A_211[%arg1, %dma_start3A_212] : memref<16x10240xf32, #tpu.memory_space<hbm>> -> memref<1x10240xf32, #tpu.memory_space<hbm>>
    %dma_start3A_214 = tpu.memref_squeeze %dma_start3A_213 : memref<1x10240xf32, #tpu.memory_space<hbm>> -> memref<10240xf32, #tpu.memory_space<hbm>>
    tpu.enqueue_dma source(%arg13 : memref<10240xf32, #tpu.memory_space<vmem>>) target(%dma_start3A_214 : memref<10240xf32, #tpu.memory_space<hbm>>) target_semaphore(%arg26 : memref<!tpu.dma_semaphore, #tpu.memory_space<semaphore_mem>>)
    %barrier3A_215 = arith.constant 0 : index
    tpu.barrier barrier_id(%barrier3A_215)
    "tpu.region"() ({
      %run_scoped3A = tpu.sem_alloc : memref<!tpu.dma_semaphore, #tpu.memory_space<semaphore_mem>>
      %dma_start3A_230 = arith.constant 0 : i32
      %dma_start3A_231 = arith.constant 0 : i32
      %dma_start3A_232 = tpu.memref_slice %arg5[%arg0, %dma_start3A_230, %dma_start3A_231] : memref<2x10240x128xf32, #tpu.memory_space<hbm>> -> memref<1x10240x128xf32, #tpu.memory_space<hbm>>
      %dma_start3A_233 = tpu.memref_squeeze %dma_start3A_232 : memref<1x10240x128xf32, #tpu.memory_space<hbm>> -> memref<10240x128xf32, #tpu.memory_space<hbm>>
      %dma_start3A_234 = arith.constant 0 : i32
      %dma_start3A_235 = tpu.memref_slice %dma_start3A_233[%mul3A_9, %dma_start3A_234] : memref<10240x128xf32, #tpu.memory_space<hbm>> -> memref<640x128xf32, #tpu.memory_space<hbm>>
      %dma_start3A_236 = arith.constant 0 : i32
      %dma_start3A_237 = tpu.memref_slice %arg7[%mul3A_9, %dma_start3A_236] : memref<10240x128xf32, #tpu.memory_space<vmem_shared>> -> memref<640x128xf32, #tpu.memory_space<vmem_shared>>
      tpu.enqueue_dma source(%dma_start3A_237 : memref<640x128xf32, #tpu.memory_space<vmem_shared>>) target(%dma_start3A_235 : memref<640x128xf32, #tpu.memory_space<hbm>>) target_semaphore(%run_scoped3A : memref<!tpu.dma_semaphore, #tpu.memory_space<semaphore_mem>>)
      %dma_wait3A_238 = arith.constant 0 : i32
      %dma_wait3A_239 = arith.constant 0 : i32
      %dma_wait3A_240 = tpu.memref_slice %arg5[%arg0, %dma_wait3A_238, %dma_wait3A_239] : memref<2x10240x128xf32, #tpu.memory_space<hbm>> -> memref<1x10240x128xf32, #tpu.memory_space<hbm>>
      %dma_wait3A_241 = tpu.memref_squeeze %dma_wait3A_240 : memref<1x10240x128xf32, #tpu.memory_space<hbm>> -> memref<10240x128xf32, #tpu.memory_space<hbm>>
      %dma_wait3A_242 = arith.constant 0 : i32
      %dma_wait3A_243 = tpu.memref_slice %dma_wait3A_241[%mul3A_9, %dma_wait3A_242] : memref<10240x128xf32, #tpu.memory_space<hbm>> -> memref<640x128xf32, #tpu.memory_space<hbm>>
      %dma_wait3A_244 = arith.constant 0 : i32
      %dma_wait3A_245 = tpu.memref_slice %arg7[%mul3A_9, %dma_wait3A_244] : memref<10240x128xf32, #tpu.memory_space<vmem_shared>> -> memref<640x128xf32, #tpu.memory_space<vmem_shared>>
      tpu.wait_dma2 semaphore(%run_scoped3A : memref<!tpu.dma_semaphore, #tpu.memory_space<semaphore_mem>>) src(%dma_wait3A_245 : memref<640x128xf32, #tpu.memory_space<vmem_shared>>) dst(%dma_wait3A_243 : memref<640x128xf32, #tpu.memory_space<hbm>>)
      tpu.yield
    }) : () -> ()
    %dma_wait3A_216 = arith.constant 0 : i32
    %dma_wait3A_217 = arith.constant 0 : i32
    %dma_wait3A_218 = tpu.memref_slice %arg6[%arg0, %dma_wait3A_216, %dma_wait3A_217] : memref<2x16x10240xf32, #tpu.memory_space<hbm>> -> memref<1x16x10240xf32, #tpu.memory_space<hbm>>
    %dma_wait3A_219 = tpu.memref_squeeze %dma_wait3A_218 : memref<1x16x10240xf32, #tpu.memory_space<hbm>> -> memref<16x10240xf32, #tpu.memory_space<hbm>>
    %dma_wait3A_220 = arith.constant 0 : i32
    %dma_wait3A_221 = tpu.memref_slice %dma_wait3A_219[%arg1, %dma_wait3A_220] : memref<16x10240xf32, #tpu.memory_space<hbm>> -> memref<1x10240xf32, #tpu.memory_space<hbm>>
    %dma_wait3A_222 = tpu.memref_squeeze %dma_wait3A_221 : memref<1x10240xf32, #tpu.memory_space<hbm>> -> memref<10240xf32, #tpu.memory_space<hbm>>
    %dma_wait3A_223 = arith.constant 0 : i32
    %dma_wait3A_224 = arith.constant 0 : i32
    %dma_wait3A_225 = tpu.memref_slice %arg6[%arg0, %dma_wait3A_223, %dma_wait3A_224] : memref<2x16x10240xf32, #tpu.memory_space<hbm>> -> memref<1x16x10240xf32, #tpu.memory_space<hbm>>
    %dma_wait3A_226 = tpu.memref_squeeze %dma_wait3A_225 : memref<1x16x10240xf32, #tpu.memory_space<hbm>> -> memref<16x10240xf32, #tpu.memory_space<hbm>>
    %dma_wait3A_227 = arith.constant 0 : i32
    %dma_wait3A_228 = tpu.memref_slice %dma_wait3A_226[%arg1, %dma_wait3A_227] : memref<16x10240xf32, #tpu.memory_space<hbm>> -> memref<1x10240xf32, #tpu.memory_space<hbm>>
    %dma_wait3A_229 = tpu.memref_squeeze %dma_wait3A_228 : memref<1x10240xf32, #tpu.memory_space<hbm>> -> memref<10240xf32, #tpu.memory_space<hbm>>
    tpu.wait_dma2 semaphore(%arg26 : memref<!tpu.dma_semaphore, #tpu.memory_space<semaphore_mem>>) src(%arg13 : memref<10240xf32, #tpu.memory_space<vmem>>) dst(%dma_wait3A_229 : memref<10240xf32, #tpu.memory_space<hbm>>)
    return
  }
}

module attributes {stable_mosaic.version = 14 : i64} {
  func.func @_finish_body(%arg0: i32, %arg1: memref<2x2000x128xf32, #tpu.memory_space<vmem>>, %arg2: memref<2000x1xf32, #tpu.memory_space<vmem>>, %arg3: memref<2000x128xf32, #tpu.memory_space<vmem>>, %arg4: memref<128x128xf32, #tpu.memory_space<vmem>>, %arg5: memref<128x128xf32, #tpu.memory_space<vmem>>, %arg6: memref<1x128xf32, #tpu.memory_space<vmem>>, %arg7: memref<2000x128xf32, #tpu.memory_space<vmem>>) attributes {dimension_semantics = [#tpu.dimension_semantics<arbitrary>], iteration_bounds = array<i64: 5>, scalar_prefetch = 0 : i64, scratch_operands = 0 : i64, tpu.core_type = #tpu.core_type<tc>, window_params = [{transform_indices = @transform_0, window_bounds = array<i64: 2, 2000, 128>}, {transform_indices = @transform_1, window_bounds = array<i64: 2000, 1>}, {transform_indices = @transform_2, window_bounds = array<i64: 2000, 128>}, {pipeline_mode = #tpu.pipeline_mode<synchronous>, transform_indices = @transform_3, window_bounds = array<i64: 128, 128>}, {pipeline_mode = #tpu.pipeline_mode<synchronous>, transform_indices = @transform_4, window_bounds = array<i64: 128, 128>}, {pipeline_mode = #tpu.pipeline_mode<synchronous>, transform_indices = @transform_5, window_bounds = array<i64: 1, 128>}, {transform_indices = @transform_6, window_bounds = array<i64: 2000, 128>}]} {
    %get3A = arith.constant 0 : index
    %get3A_0 = arith.constant 0 : index
    %get3A_1 = arith.constant 0 : index
    %get3A_2 = vector.load %arg1[%get3A, %get3A_0, %get3A_1] : memref<2x2000x128xf32, #tpu.memory_space<vmem>>, vector<1x2000x128xf32>
    %get3A_3 = vector.shape_cast %get3A_2 : vector<1x2000x128xf32> to vector<2000x128xf32>
    %get3A_4 = arith.constant 1 : index
    %get3A_5 = arith.constant 0 : index
    %get3A_6 = arith.constant 0 : index
    %get3A_7 = vector.load %arg1[%get3A_4, %get3A_5, %get3A_6] : memref<2x2000x128xf32, #tpu.memory_space<vmem>>, vector<1x2000x128xf32>
    %get3A_8 = vector.shape_cast %get3A_7 : vector<1x2000x128xf32> to vector<2000x128xf32>
    %add3A = arith.addf %get3A_3, %get3A_8 : vector<2000x128xf32>
    %get3A_9 = arith.constant 0 : index
    %get3A_10 = arith.constant 0 : index
    %get3A_11 = vector.load %arg2[%get3A_9, %get3A_10] : memref<2000x1xf32, #tpu.memory_space<vmem>>, vector<2000x1xf32>
    %mul3A = vector.broadcast %get3A_11 : vector<2000x1xf32> to vector<2000x128xf32>
    %mul3A_12 = arith.mulf %add3A, %mul3A : vector<2000x128xf32>
    %get3A_13 = arith.constant 0 : index
    %get3A_14 = arith.constant 0 : index
    %get3A_15 = vector.load %arg4[%get3A_13, %get3A_14] : memref<128x128xf32, #tpu.memory_space<vmem>>, vector<128x128xf32>
    %dot_general3A = arith.constant dense<0.000000e+00> : vector<2000x128xf32>
    %dot_general3A_16 = tpu.matmul %mul3A_12, %get3A_15, %dot_general3A {dimension_numbers = #tpu.dot_dimension_numbers<[1], [0], [0], [1], [0, 0, 1, 1], [], []>, transpose_lhs_hint = false} : vector<2000x128xf32>, vector<128x128xf32>, vector<2000x128xf32> -> vector<2000x128xf32>
    %get3A_17 = arith.constant 0 : index
    %get3A_18 = arith.constant 0 : index
    %get3A_19 = vector.load %arg3[%get3A_17, %get3A_18] : memref<2000x128xf32, #tpu.memory_space<vmem>>, vector<2000x128xf32>
    %get3A_20 = arith.constant 0 : index
    %get3A_21 = arith.constant 0 : index
    %get3A_22 = vector.load %arg5[%get3A_20, %get3A_21] : memref<128x128xf32, #tpu.memory_space<vmem>>, vector<128x128xf32>
    %dot_general3A_23 = arith.constant dense<0.000000e+00> : vector<2000x128xf32>
    %dot_general3A_24 = tpu.matmul %get3A_19, %get3A_22, %dot_general3A_23 {dimension_numbers = #tpu.dot_dimension_numbers<[1], [0], [0], [1], [0, 0, 1, 1], [], []>, transpose_lhs_hint = false} : vector<2000x128xf32>, vector<128x128xf32>, vector<2000x128xf32> -> vector<2000x128xf32>
    %add3A_25 = arith.addf %dot_general3A_16, %dot_general3A_24 : vector<2000x128xf32>
    %get3A_26 = arith.constant 0 : index
    %get3A_27 = arith.constant 0 : index
    %get3A_28 = vector.load %arg6[%get3A_26, %get3A_27] : memref<1x128xf32, #tpu.memory_space<vmem>>, vector<1x128xf32>
    %add3A_29 = vector.broadcast %get3A_28 : vector<1x128xf32> to vector<2000x128xf32>
    %add3A_30 = arith.addf %add3A_25, %add3A_29 : vector<2000x128xf32>
    %max3A = arith.constant 0.000000e+00 : f32
    %max3A_31 = vector.broadcast %max3A : f32 to vector<2000x128xf32>
    %max3A_32 = arith.maximumf %add3A_30, %max3A_31 : vector<2000x128xf32>
    %swap3A = arith.constant 0 : index
    %swap3A_33 = arith.constant 0 : index
    %swap3A_34 = vector.load %arg7[%swap3A, %swap3A_33] : memref<2000x128xf32, #tpu.memory_space<vmem>>, vector<2000x128xf32>
    tpu.vector_store %arg7[%swap3A, %swap3A_33], %max3A_32 {strides = array<i32>} : memref<2000x128xf32, #tpu.memory_space<vmem>>, vector<2000x128xf32>,
    return
  }
  func.func @transform_0(%arg0: i32) -> (i32, i32, i32) {
    %c0_i32 = arith.constant 0 : i32
    %c0_i32_0 = arith.constant 0 : i32
    %c0_i32_1 = arith.constant 0 : i32
    return %c0_i32, %arg0, %c0_i32_0 : i32, i32, i32
  }
  func.func @transform_1(%arg0: i32) -> (i32, i32) {
    %c0_i32 = arith.constant 0 : i32
    %c0_i32_0 = arith.constant 0 : i32
    return %arg0, %c0_i32 : i32, i32
  }
  func.func @transform_2(%arg0: i32) -> (i32, i32) {
    %c0_i32 = arith.constant 0 : i32
    %c0_i32_0 = arith.constant 0 : i32
    return %arg0, %c0_i32 : i32, i32
  }
  func.func @transform_3(%arg0: i32) -> (i32, i32) {
    %c0_i32 = arith.constant 0 : i32
    %c0_i32_0 = arith.constant 0 : i32
    %c0_i32_1 = arith.constant 0 : i32
    return %c0_i32, %c0_i32_0 : i32, i32
  }
  func.func @transform_4(%arg0: i32) -> (i32, i32) {
    %c0_i32 = arith.constant 0 : i32
    %c0_i32_0 = arith.constant 0 : i32
    %c0_i32_1 = arith.constant 0 : i32
    return %c0_i32, %c0_i32_0 : i32, i32
  }
  func.func @transform_5(%arg0: i32) -> (i32, i32) {
    %c0_i32 = arith.constant 0 : i32
    %c0_i32_0 = arith.constant 0 : i32
    %c0_i32_1 = arith.constant 0 : i32
    return %c0_i32, %c0_i32_0 : i32, i32
  }
  func.func @transform_6(%arg0: i32) -> (i32, i32) {
    %c0_i32 = arith.constant 0 : i32
    %c0_i32_0 = arith.constant 0 : i32
    return %arg0, %c0_i32 : i32, i32
  }
}

</mosaic_0001>

<sc_bundles>
// kernel: kernel.4.cloned.1.call-start
scs
__scs_entry_jumppad:
0x0: {  	(pc) =	sbr.rel $0x88, $3  }
0x1: {  	(tag) =	ssettag $0x0;
	lr =	simm.s32 $0x1  }
0x2: {  	[smem:$0x3F9C] =	sst lr;
	_ =	strace $0xD0000000  }
0x3: {  	_ = 	snop  }
0x4: {  	_ = 	snop  }
0x5: {  	_ = 	snop  }
0x6: {  	_ = 	snop  }
0x7: {  	_ = 	snop  }
__scs_overlays_trampoline_lowered:
0x8: {  	[smem:$0x3FAB] =	sst s0  }
0x9: {  	[smem:$0x3FAC] =	sst s1  }
0xa: {  	[smem:$0x3FAD] =	sst s2  }
0xb: {  	[smem:$0x3FAE] =	sst s3  }
0xc: {  	[smem:$0x3FAF] =	sst s4  }
0xd: {  	[smem:$0x3FB0] =	sst s5  }
0xe: {  	[smem:$0x3FB1] =	sst s6  }
0xf: {  	[smem:$0x3FB2] =	sst s7  }
0x10: {  	[smem:$0x3FB3] =	sst s8  }
0x11: {  	[smem:$0x3FB4] =	sst s9;
	s0 =	simm.s32 @!p0 $0x0  }
0x12: {  	s1 =	sld [smem:$0x3F9A];
	s0 =	simm.s32 @p0 $0x1  }
0x13: {  	[smem:$0x3FB5] =	sst s0;
	s0 =	simm.s32 @!p1 $0x0  }
0x14: {  	s2 =	sld [smem:$0x3F99];
	s0 =	simm.s32 @p1 $0x1  }
0x15: {  	[smem:$0x3FB6] =	sst s0;
	s0 =	simm.s32 @!p2 $0x0  }
0x16: {  	s3 =	sld [smem:$0x3FDB];
	s0 =	simm.s32 @p2 $0x1  }
0x17: {  	s4 =	simm.s32 $0x1BF5;
	[smem:$0x3FB8] =	sst s0  }
0x18: {  	s0 =	sld [smem:$0x3F9B];
	_ =	swait.ge [sflag:s4], $0x0  }
0x19: {  	s7 =	sld [smem:$0x3F9C]  }
0x1a: {  	s8 =	sadd.s32 $0xFFFFE003, lr  }
0x1b: {  	s9 =	sadd.s32 $0xFFFFFEF7, lr;
	s5 =	simm.s32 $0xFFFFFFFF;
	p2 =	slt.u32 s8, $0xFFFFF086  }
0x1c: {  	p1 =	slt.u32 s9, $0xF7A;
	s5 =	simm.s32 @!p2 $0x0  }
0x1d: {  	s5 =	simm.s32 @p1 $0x1;
	p0 =	seq.s32 s7, s2  }
0x1e: {  	s7 =	smul.u32 @!p0 $0xF7A, s2;
	p2 =	seq.s32 @!p0 s5, $0x0  }
0x1f: {  	s9 =	smul.u32 $0xF7A, s1;
	s8 =	simm.s32 @!p0 $0x1BF5;
	p2 =	por !p2, p0  }
0x20: {  	[sflag:s8] =	ssyncset.s32 @!p0 $0xFFFFF086;
	s6 =	sadd.s32 @!p0 s3, s7;
	s7 =	simm.s32 @!p0 $0x108  }
0x21: {  	s3 =	sadd.s32 s3, s9;
	s6 =	sadd.s32 @!p0 $0x88, s6;
	s7 =	simm.s32 @p2 $0x1082  }
0x22: {  	[simem:s7], [sflag:s8] =	dma.local @!p0 [hbm:s6], $0xF7A  }
0x23: {  	s9 =	sor.u32 $0xD0000000, s2;
	s6 =	simm.s32 $0x108;
	_ =	swait.ge @!p0 [sflag:s8], $0x0  }
0x24: {  	s3 =	sadd.s32 $0x88, s3;
	s6 =	simm.s32 @!p1 $0x1082;
	[sflag:s4] =	ssyncset.s32 $0xFFFFF086  }
0x25: {  	[simem:s6], [sflag:s4] =	dma.local [hbm:s3], $0xF7A  }
0x26: {  	[smem:$0x3F9C] =	sst s1;
	(tag) =	ssettag s2;
	_ =	strace s9  }
0x27: {  	s1 =	sld [smem:$0x3FAC]  }
0x28: {  	s2 =	sld [smem:$0x3FAD]  }
0x29: {  	s4 =	sld [smem:$0x3FAF]  }
0x2a: {  	p0 =	seq.s32 s5, $0x0;
	s5 =	sld [smem:$0x3FB0]  }
0x2b: {  	s6 =	sld [smem:$0x3FB1]  }
0x2c: {  	s7 =	sld [smem:$0x3FB2]  }
0x2d: {  	s3 =	simm.s32 $0x108;
	s8 =	sld [smem:$0x3FB3]  }
0x2e: {  	s3 =	simm.s32 @!p0 $0x1082;
	s9 =	sld [smem:$0x3FB4]  }
0x2f: {  	lr =	sadd.s32 s0, s3;
	s0 =	sld [smem:$0x3FAB]  }
0x30: {  	s3 =	sld [smem:$0x3FAE]  }
0x31: {  	[smem:$0x3FB7] =	sst s10  }
0x32: {  	s10 =	sld [smem:$0x3FB5];
	_ =	sdelay $0x3  }
0x33: {  	p0 =	seq.s32 s10, $0x1;
	s10 =	sld [smem:$0x3FB7];
	_ =	sdelay $0x3  }
0x34: {  	[smem:$0x3FB7] =	sst s10  }
0x35: {  	s10 =	sld [smem:$0x3FB6];
	_ =	sdelay $0x3  }
0x36: {  	p1 =	seq.s32 s10, $0x1;
	s10 =	sld [smem:$0x3FB7];
	_ =	sdelay $0x3  }
0x37: {  	[smem:$0x3FB7] =	sst s10  }
0x38: {  	s10 =	sld [smem:$0x3FB8]  }
0x39: {  	_ = 	snop;
	(pc) =	sbr.ind lr, $3  }
0x3a: {  	_ = 	snop  }
0x3b: {  	_ = 	snop  }
0x3c: {  	p2 =	seq.s32 s10, $0x1;
	s10 =	sld [smem:$0x3FB7]  }
0x3d: {  	_ =	shalt  }
0x3e: {  	_ =	shalt  }
0x3f: {  	_ =	shalt  }
0x40: {  	_ =	shalt  }
0x41: {  	_ =	shalt  }
0x42: {  	_ =	shalt  }
0x43: {  	_ =	shalt  }
0x44: {  	_ =	shalt  }
0x45: {  	_ =	shalt  }
0x46: {  	_ =	shalt  }
0x47: {  	_ =	shalt  }
0x48: {  	_ =	shalt  }
0x49: {  	_ =	shalt  }
0x4a: {  	_ =	shalt  }
0x4b: {  	_ =	shalt  }
0x4c: {  	_ =	shalt  }
0x4d: {  	_ =	shalt  }
0x4e: {  	_ =	shalt  }
0x4f: {  	_ =	shalt  }
0x50: {  	_ =	shalt  }
0x51: {  	_ =	shalt  }
0x52: {  	_ =	shalt  }
0x53: {  	_ =	shalt  }
0x54: {  	_ =	shalt  }
0x55: {  	_ =	shalt  }
0x56: {  	_ =	shalt  }
0x57: {  	_ =	shalt  }
0x58: {  	_ =	shalt  }
0x59: {  	_ =	shalt  }
0x5a: {  	_ =	shalt  }
0x5b: {  	_ =	shalt  }
0x5c: {  	_ =	shalt  }
0x5d: {  	_ =	shalt  }
0x5e: {  	_ =	shalt  }
0x5f: {  	_ =	shalt  }
0x60: {  	_ =	shalt  }
0x61: {  	_ =	shalt  }
0x62: {  	_ =	shalt  }
0x63: {  	_ =	shalt  }
0x64: {  	_ =	shalt  }
0x65: {  	_ =	shalt  }
0x66: {  	_ =	shalt  }
0x67: {  	_ =	shalt  }
0x68: {  	_ =	shalt  }
0x69: {  	_ =	shalt  }
0x6a: {  	_ =	shalt  }
0x6b: {  	_ =	shalt  }
0x6c: {  	_ =	shalt  }
0x6d: {  	_ =	shalt  }
0x6e: {  	_ =	shalt  }
0x6f: {  	_ =	shalt  }
0x70: {  	_ =	shalt  }
0x71: {  	_ =	shalt  }
0x72: {  	_ =	shalt  }
0x73: {  	_ =	shalt  }
0x74: {  	_ =	shalt  }
0x75: {  	_ =	shalt  }
0x76: {  	_ =	shalt  }
0x77: {  	_ =	shalt  }
0x78: {  	_ =	shalt  }
0x79: {  	_ =	shalt  }
0x7a: {  	_ =	shalt  }
0x7b: {  	_ =	shalt  }
0x7c: {  	_ =	shalt  }
0x7d: {  	_ =	shalt  }
0x7e: {  	_ =	shalt  }
0x7f: {  	_ =	shalt  }
0x80: {  	_ =	shalt  }
0x81: {  	_ =	shalt  }
0x82: {  	_ =	shalt  }
0x83: {  	_ =	shalt  }
0x84: {  	_ =	shalt  }
0x85: {  	_ =	shalt  }
0x86: {  	_ =	shalt  }
0x87: {  	_ =	shalt  }
.Lfunc_end0:
.L_simem_size_0:
called_computation_lowered:
.L_overlay_start_0:
0x88: {  	s2 =	sld [smem:$0x3FD9]  }
0x89: {  	s3 =	sld [smem:$0x3FFE];
	_ =	sdelay $0x1  }
0x8a: {  	s1 =	srdreg.scid  }
0x8b: {  	s0 =	sand.u32 $0x1, s1  }
0x8c: {  	s17 =	sshll.u32 s0, $0xA;
	s2 =	sadd.s32 s3, s2  }
0x8d: {  	s2 =	sadd.s32 s2, s17  }
0x8e: {  	[smem:$0x3FC3] =	sst s2  }
0x8f: {  	_ = 	snop  }
0x90: {  	s2 =	sld [smem:$0x3FC9]  }
0x91: {  	s18 =	sld [smem:$0x3FD0];
	(tm) =	ssettm $0x1  }
0x92: {  	s4 =	sld [smem:$0x3FFB];
	_ =	sdelay $0x3  }
0x93: {  	_ =	strace s4  }
0x94: {  	s4 =	sld [smem:$0x3FFC];
	_ =	sdelay $0x3  }
0x95: {  	_ =	strace s4  }
0x96: {  	s4 =	sld [smem:$0x3FFD];
	_ =	sdelay $0x3  }
0x97: {  	_ =	strace s4  }
0x98: {  	_ =	strace $0x8FFFFFFF  }
0x99: {  	s19 =	sld [smem:$0x3FDB];
	_ =	sdelay $0x1  }
0x9a: {  	s5 =	simm.s32 $_scs_section_size  }
0x9b: {  	s6 =	simm.s32 $_size__tile_overlayer_lowered;
	s7 =	simm.s32 $_tile_overlayer_lowered  }
0x9c: {  	s22 =	simm.s32 $0x1BFF;
	s21 =	sshll.u32 s7, $0x1;
	s4 =	sadd.s32 s5, s19  }
0x9d: {  	s8 =	simm.s32 $0x0;
	s20 =	sshll.u32 s6, $0x1;
	s6 =	sadd.s32 s21, s4  }
0x9e: {  	[timem:s8], [sflag:s22] =	dma.local [hbm:s6], s20  }
0x9f: {  	_ =	swait.ge [sflag:s22], s20  }
0xa0: {  	s5 =	ssub.s32 $0x0, s20;
	[sflag:s22] =	ssyncset.done $0x0  }
0xa1: {  	[sflag:s22] =	ssyncadd.s32 s5;
	_ =	sdelay $0x1  }
0xa2: {  	s23 =	simm.s32 $0x1B8B  }
0xa3: {  	_ =	swait.ge [sflag:s23], $0x1  }
0xa4: {  	[sflag:s23] =	ssyncset.done $0x0  }
0xa5: {  	s25 =	simm.s32 $0x1B8E;
	s24 =	sld [smem:$0x3FFE];
	[sflag:s23] =	ssyncadd.s32 $0xFFFFFFFF  }
0xa6: {  	s26 =	simm.s32 $execute0_lowered;
	[smem:$0x3FD2] =	sst s25  }
0xa7: {  	s6 =	sshll.u32 s26, $0x1;
	_ =	strace $0x80000046;
	[dreg:$0x1] =	wrdreg $0xFFFFFFFF  }
0xa8: {  	s28 =	simm.s32 $_size_execute0_lowered;
	s4 =	sadd.s32 s4, s6;
	[dreg:$0x0] =	wrdreg $0x0  }
0xa9: {  	s6 =	sshll.u32 s28, $0x1;
	[dreg:$0x2] =	wrdreg s4  }
0xaa: {  	[dreg:$0x3] =	wrdreg s6  }
0xab: {  	[dreg:$0x4] =	wrdreg $0xC0  }
0xac: {  	_ =	task [dreg:s8], $0x5FFFF  }
0xad: {  	[dreg:$0x1] =	wrdreg $0xFFFFFFFF  }
0xae: {  	[dreg:$0x0] =	wrdreg $0x60  }
0xaf: {  	[dreg:$0x2] =	wrdreg s24  }
0xb0: {  	[dreg:$0x3] =	wrdreg s2  }
0xb1: {  	[dreg:$0x4] =	wrdreg s18  }
0xb2: {  	[dreg:$0x5] =	wrdreg $0x0  }
0xb3: {  	[dreg:$0x6] =	wrdreg $0x9  }
0xb4: {  	_ =	task.clear_ibuf [dreg:s8], $0x7FFFF;
	_ =	strace $0x90000046  }
0xb5: {  	s29 =	simm.s32 $0x9;
	_ =	strace $0x80000048  }
0xb6: {  	_ =	swait.ge [sflag:s29], $0x1  }
0xb7: {  	[sflag:s29] =	ssyncadd.s32 $0xFFFFFFFF  }
0xb8: {  	_ =	strace $0x90000048  }
0xb9: {  	_ =	sfence  }
0xba: {  	s30 =	sld [smem:$0x0];
	_ =	sdelay $0x2  }
0xbb: {  	s31 =	sshll.u32 s1, $0xD;
	s1 =	sshrl.u32 s1, $0x2  }
0xbc: {  	s3 =	sand.u32 $0x4000, s31;
	s1 =	sadd.s32 s1, s30  }
0xbd: {  	s0 =	sor.u32 s3, s0;
	s1 =	sshll.u32 s1, $0x11  }
0xbe: {  	s0 =	sor.u32 s1, s0  }
0xbf: {  	s0 =	sadd.s32 $0x8F2B, s0  }
0xc0: {  	[sflag:s0] =	ssyncadd.remote.s32 $0x1  }
0xc1: {  	_ =	sfence.sel $0xFFFF  }
0xc2: {  	[dreg:$0x0] =	wrdreg $0xFFFFFFFF;
	(pc) =	sbr.abs _section_cstart, $3  }
0xc3: {  	[dreg:$0x1] =	wrdreg $0xFFFFFFFF  }
0xc4: {  	_ =	task.clear_ibuf [dreg:s8], $0x2FFFF;
	_ =	strace $0x9FFFFFFF  }
0xc5: {  	(tm) =	ssettm $0x7FFFFFFF  }
tec
execute0_lowered:
.L_overlay_start_1:
0x0: {  	(tag) =	ssettag $0x1  }
0x1: {  	s0 =	rddreg [dreg:$0x0]  }
0x2: {  	s1 =	rddreg [dreg:$0x1]  }
0x3: {  	s3 =	rddreg [dreg:$0x2]  }
0x4: {  	s2 =	rddreg [dreg:$0x3];
	s13 =	stileid.u32  }
0x5: {  	s4 =	srdreg.scid;
	s22 =	smul.u32 $0x50000, s13  }
0x6: {  	s30 =	simm.s32 $0x14200;
	s28 =	simm.s32 $0xD;
	s24 =	smul.u32 $0x2710, s13  }
0x7: {  	s5 =	sand.u32 $0x1, s4;
	s4 =	simm.s32 $0x0;
	s29 =	smul.u32 $0x2800, s13  }
0x8: {  	s14 =	sadd.s32 $0xA800, s0;
	s15 =	sadd.s32 $0xA00, s0;
	s7 =	smul.u32 $0x28000, s5  }
0x9: {  	s10 =	sshrl.u32 s13, $0x3;
	s23 =	sshll.u32 s13, $0x7;
	s20 =	smul.u32 $0x5000, s5  }
0xa: {  	s6 =	sshll.u32 s5, $0x4;
	[smem:$0x7FF] =	sst s4;
	s10 =	smul.u32 $0x14000, s10  }
0xb: {  	s8 =	ssub.s32 $0x2, s5;
	s5 =	smul.u32 $0x27100, s5;
	s6 =	sor.u32 s13, s6  }
0xc: {  	_ =	strace $0x80000047;
	s9 =	sshrl.u32 s8, $0x1;
	[dreg:$0x6] =	wrdreg s15  }
0xd: {  	[dreg:$0x5] =	wrdreg s14;
	s6 =	smul.u32 $0x2710, s6;
	s0 =	sadd.s32 s7, s0  }
0xe: {  	s31 =	ssub.s32 s8, s9;
	s3 =	sadd.s32 s3, s20;
	s5 =	sadd.s32 s24, s5  }
0xf: {  	s0 =	sadd.s32 $0x14600, s0;
	s26 =	sadd.s32 $0x320, s5;
	s7 =	smax.u32 s31, $0x1  }
0x10: {  	s6 =	sshrl.u32 s6, $0x3;
	[dreg:$0x12] =	wrdreg s7;
	s0 =	sadd.s32 s29, s0  }
0x11: {  	s31 =	sshrl.u32 s26, $0x3;
	s11 =	sadd.s32 s14, s6;
	[dreg:$0x15] =	wrdreg s0  }
0x12: {  	s7 =	simm.s32 $0x14480;
	s12 =	sadd.s32 s15, s6;
	[dreg:$0x7] =	wrdreg s11  }
0x13: {  	s16 =	sadd.s32 $0xA, s6;
	s9 =	sadd.s32 s31, s14;
	[dreg:$0x8] =	wrdreg s12  }
0x14: {  	s18 =	sadd.s32 $0x14, s6;
	s17 =	sadd.s32 s14, s16;
	[dreg:$0x16] =	wrdreg s9  }
0x15: {  	s21 =	sadd.s32 $0x1E, s6;
	s8 =	sadd.s32 s15, s16;
	[dreg:$0x9] =	wrdreg s17  }
0x16: {  	s6 =	sadd.s32 $0x28, s6;
	s19 =	sadd.s32 s14, s18;
	[dreg:$0xa] =	wrdreg s8  }
0x17: {  	s11 =	sadd.s32 s14, s21;
	s12 =	sadd.s32 s14, s6;
	[dreg:$0xb] =	wrdreg s19  }
0x18: {  	s6 =	sadd.s32 s15, s6;
	s16 =	sadd.s32 $0x190, s5;
	[dreg:$0xd] =	wrdreg s11  }
0x19: {  	s9 =	simm.s32 $0x1;
	s8 =	sadd.s32 s15, s18;
	[dreg:$0xf] =	wrdreg s12  }
0x1a: {  	s11 =	sand.u32 $0x380, s23;
	[dreg:$0x10] =	wrdreg s6;
	s12 =	sadd.s32 $0x230, s5  }
0x1b: {  	s18 =	sshrl.u32 s16, $0x3;
	s19 =	sadd.s32 $0x1E0, s5;
	s16 =	simm.s32 $0x19600  }
0x1c: {  	[dreg:$0xc] =	wrdreg s8;
	s8 =	sadd.s32 s15, s21;
	s25 =	sor.u32 s11, s10  }
0x1d: {  	s13 =	sshrl.u32 s12, $0x3;
	[dreg:$0x1d] =	wrdreg s19;
	s20 =	sadd.s32 s18, s15  }
0x1e: {  	s12 =	simm.s32 $0x8;
	[dreg:$0xe] =	wrdreg s8;
	s6 =	sshrl.u32 s25, $0x3  }
0x1f: {  	s8 =	sshrl.u32 s22, $0x2;
	s17 =	sadd.s32 s13, s15;
	[dreg:$0x1e] =	wrdreg s20  }
0x20: {  	s25 =	sadd.s32 s8, s2;
	s8 =	sadd.s32 s31, s15;
	[dreg:$0x1b] =	wrdreg s17  }
0x21: {  	s19 =	simm.s32 $0xB;
	s3 =	sadd.s32 s6, s3;
	[dreg:$0x13] =	wrdreg s8  }
0x22: {  	s20 =	simm.s32 $0x2;
	s6 =	sadd.s32 $0x2D0, s5;
	[dreg:$0x14] =	wrdreg s3  }
0x23: {  	s17 =	simm.s32 $0x16E00;
	s21 =	sadd.s32 $0x2800, s25;
	[dreg:$0x11] =	wrdreg s25  }
0x24: {  	s3 =	sshrl.u32 s6, $0x3;
	s22 =	sadd.s32 $0x5000, s25;
	[smem:$0x7F7] =	sst s21  }
0x25: {  	s8 =	sadd.s32 $0x280, s5;
	s23 =	sadd.s32 $0x7800, s25;
	[smem:$0x7F8] =	sst s22  }
0x26: {  	s24 =	sadd.s32 $0xA000, s25;
	s26 =	sadd.s32 $0xC800, s25;
	[smem:$0x7F9] =	sst s23  }
0x27: {  	s29 =	sadd.s32 $0xF000, s25;
	s31 =	sadd.s32 $0x11800, s25;
	[smem:$0x7FA] =	sst s24  }
0x28: {  	s5 =	simm.s32 $0x5;
	s6 =	simm.s32 $0x3;
	[smem:$0x7FB] =	sst s26  }
0x29: {  	s0 =	sshrl.u32 s8, $0x3;
	s10 =	sadd.s32 s3, s15;
	[smem:$0x7FC] =	sst s29  }
0x2a: {  	s3 =	sadd.s32 s3, s14;
	[smem:$0x7FD] =	sst s31;
	s8 =	simm.s32 $0x14500  }
0x2b: {  	s21 =	simm.s32 $0xA;
	s22 =	simm.s32 $0x6;
	[dreg:$0x17] =	wrdreg s10  }
0x2c: {  	s23 =	simm.s32 $0x0;
	[dreg:$0x18] =	wrdreg s3;
	s11 =	sadd.s32 s0, s15  }
.Ltmp0:
0x2d: {  	s0 =	sadd.s32 s0, s14;
	s3 =	simm.s32 $0x14180;
	(pc) =	sbr.rel .LBB2_1-.Ltmp0, $4  }
0x2e: {  	s10 =	simm.s32 $0x7;
	s15 =	simm.s32 $0x9;
	[dreg:$0x19] =	wrdreg s11  }
0x2f: {  	[dreg:$0x1a] =	wrdreg s0;
	s0 =	sadd.s32 s13, s14;
	s13 =	simm.s32 $0x14600  }
0x30: {  	s11 =	simm.s32 $0x50;
	[dreg:$0x1c] =	wrdreg s0;
	s0 =	sadd.s32 s18, s14  }
0x31: {  	v0 =	vimm.f32 $0.0e+00;
	s14 =	simm.s32 $0x1BE00;
	s18 =	simm.s32 $0x4;
	[dreg:$0x1f] =	wrdreg s0  }
.LBB2_8:
0x32: {  	_ =	swait.ge [sflag:s5], $0x2800  }
0x33: {  	s23 =	simm.s32 $0x80;
	[sflag:s5] =	ssyncset.done $0x0  }
0x34: {  	s24 =	simm.s32 $0x400;
	s0 =	rddreg [dreg:$0x14];
	[sflag:s5] =	ssyncadd.s32 $0xFFFFD800  }
0x35: {  	[hbm4b:s0+s23] =	stream.strided.scatter [tilespmem:s14], [sflag:$0xD], $0x2800, s24, s23, $0x38;
	[tilespmem:$0x1E600] =	vst v63  }
0x36: {  	s26 =	stileid.u32;
	[bflag:$0x0] =	sbarrier.arrive $0xFFFF  }
0x37: {  	s0 =	sshll.u32 s26, $0x6;
	s26 =	simm.s32 $0xE;
	s25 =	rddreg [dreg:$0x11]  }
0x38: {  	s0 =	sor.u32 $0x1C0E, s0;
	s31 =	rddreg [dreg:$0x15];
	s29 =	sshrl.u32 s25, $0x3  }
0x39: {  	[hbm:s31], [sflag:s0] =	dma.local [spmem:s29], $0x2800  }
0x3a: {  	_ =	swait.ge [sflag:s26], $0x2800  }
0x3b: {  	[sflag:s26] =	ssyncset.done $0x0  }
0x3c: {  	s28 =	simm.s32 $0xD;
	[sflag:s26] =	ssyncadd.s32 $0xFFFFD800  }
0x3d: {  	_ =	swait.ge [sflag:s28], $0x2800  }
0x3e: {  	s29 =	sld [smem:$0x7F6];
	_ =	sdelay $0x2  }
0x3f: {  	s31 =	rddreg [dreg:$0x12];
	s23 =	sadd.s32 $0x1, s29  }
0x40: {  	p0 =	sne.s32 s23, s31  }
.Ltmp1:
0x41: {  	_ = 	snop;
	(pc) =	sbr.rel @!p0 .LBB2_9-.Ltmp1, $3  }
0x42: {  	_ =	sdelay $0x1  }
0x43: {  	[sflag:s28] =	ssyncset.done $0x0  }
0x44: {  	[sflag:s28] =	ssyncadd.s32 $0xFFFFD800  }
.LBB2_1:
0x45: {  	[smem:$0x7F6] =	sst s23;
	s23 =	simm.s32 $0x70;
	s24 =	simm.s32 $0x3C0  }
.LBB2_2:
0x46: {  	p0 =	sne.s32 s24, $0x9FC0;
	[tilespmem:s23+$0x14600] =	vst v0  }
0x47: {  	[tilespmem:s23+$0x14590] =	vst v0  }
0x48: {  	[tilespmem:s23+$0x145A0] =	vst v0  }
.Ltmp2:
0x49: {  	[tilespmem:s23+$0x145B0] =	vst v0;
	(pc) =	sbr.rel @p0 .LBB2_2-.Ltmp2, $4  }
0x4a: {  	[tilespmem:s23+$0x145C0] =	vst v0  }
0x4b: {  	[tilespmem:s23+$0x145D0] =	vst v0  }
0x4c: {  	[tilespmem:s23+$0x145E0] =	vst v0  }
0x4d: {  	[tilespmem:s23+$0x145F0] =	vst v0;
	s23 =	sshra.s32 s24, $0x2;
	s24 =	sadd.s32 $0x200, s24  }
0x4e: {  	[tilespmem:s23+$0x14600] =	vst v0  }
0x4f: {  	[tilespmem:s23+$0x14590] =	vst v0  }
0x50: {  	[tilespmem:s23+$0x145A0] =	vst v0  }
0x51: {  	[tilespmem:s23+$0x145B0] =	vst v0  }
0x52: {  	[tilespmem:s23+$0x145C0] =	vst v0  }
0x53: {  	[tilespmem:s23+$0x145D0] =	vst v0  }
0x54: {  	[tilespmem:s23+$0x145E0] =	vst v0  }
0x55: {  	[tilespmem:s23+$0x145F0] =	vst v0;
	s23 =	simm.s32 $0x40;
	s24 =	simm.s32 $0x0  }
.LBB2_4:
0x56: {  	p0 =	sne.s32 s23, $0x9FC0;
	[tilespmem:s24+$0x1BE00] =	vst v0;
	s24 =	smov.u32 s23;
	s23 =	sadd.s32 $0x40, s23  }
.Ltmp3:
0x57: {  	(pc) =	sbr.rel @p0 .LBB2_4-.Ltmp3, $2  }
0x58: {  	_ =	sdelay $0x2  }
0x59: {  	s24 =	sshra.s32 s24, $0x2  }
0x5a: {  	[tilespmem:s24+$0x1BE00] =	vst v0;
	s0 =	sld [smem:$0x7F7]  }
0x5b: {  	[spmem:s25] =	stream.linear.scatter [tilespmem:s13], [sflag:$0xD], $0x2800, $0x38;
	[tilespmem:$0x1E600] =	vst v63  }
0x5c: {  	s31 =	sld [smem:$0x7F8]  }
0x5d: {  	[spmem:s0] =	stream.linear.scatter [tilespmem:s13], [sflag:$0xD], $0x2800, $0x38;
	[tilespmem:$0x1E600] =	vst v63  }
0x5e: {  	s23 =	sld [smem:$0x7F9]  }
0x5f: {  	[spmem:s31] =	stream.linear.scatter [tilespmem:s13], [sflag:$0xD], $0x2800, $0x38;
	[tilespmem:$0x1E600] =	vst v63  }
0x60: {  	s24 =	sld [smem:$0x7FA]  }
0x61: {  	[spmem:s23] =	stream.linear.scatter [tilespmem:s13], [sflag:$0xD], $0x2800, $0x38;
	[tilespmem:$0x1E600] =	vst v63  }
0x62: {  	s25 =	sld [smem:$0x7FB]  }
0x63: {  	[spmem:s24] =	stream.linear.scatter [tilespmem:s13], [sflag:$0xD], $0x2800, $0x38;
	[tilespmem:$0x1E600] =	vst v63  }
0x64: {  	s26 =	sld [smem:$0x7FC]  }
0x65: {  	[spmem:s25] =	stream.linear.scatter [tilespmem:s13], [sflag:$0xD], $0x2800, $0x38;
	[tilespmem:$0x1E600] =	vst v63  }
0x66: {  	s29 =	sld [smem:$0x7FD]  }
0x67: {  	[spmem:s26] =	stream.linear.scatter [tilespmem:s13], [sflag:$0xD], $0x2800, $0x38;
	[tilespmem:$0x1E600] =	vst v63  }
0x68: {  	_ = 	snop  }
0x69: {  	[spmem:s29] =	stream.linear.scatter [tilespmem:s13], [sflag:$0xD], $0x2800, $0x38;
	[tilespmem:$0x1E600] =	vst v63  }
0x6a: {  	s31 =	rddreg [dreg:$0x7];
	s23 =	simm.s32 $0x0;
	s24 =	simm.s32 $0x14000  }
0x6b: {  	[tilespmem:s24], [sflag:$0x7] =	stream.linear.gather [hbm4b:s31+s23], $0x50, $0x38;
	[tilespmem:$0x1E600] =	vst v63  }
0x6c: {  	s25 =	rddreg [dreg:$0x8];
	s26 =	simm.s32 $0x14300  }
0x6d: {  	[tilespmem:s26], [sflag:$0x7] =	stream.linear.gather [hbm4b:s25+s23], $0x50, $0x38;
	[tilespmem:$0x1E600] =	vst v63  }
0x6e: {  	s29 =	rddreg [dreg:$0x9];
	s25 =	simm.s32 $0x14080  }
0x6f: {  	[tilespmem:s25], [sflag:$0x8] =	stream.linear.gather [hbm4b:s29+s23], $0x50, $0x38;
	[tilespmem:$0x1E600] =	vst v63  }
0x70: {  	s31 =	rddreg [dreg:$0xa];
	s26 =	simm.s32 $0x14380  }
0x71: {  	[tilespmem:s26], [sflag:$0x8] =	stream.linear.gather [hbm4b:s31+s23], $0x50, $0x38;
	[tilespmem:$0x1E600] =	vst v63  }
0x72: {  	s29 =	rddreg [dreg:$0xb];
	s31 =	simm.s32 $0x14100  }
0x73: {  	[tilespmem:s31], [sflag:$0x9] =	stream.linear.gather [hbm4b:s29+s23], $0x50, $0x38;
	[tilespmem:$0x1E600] =	vst v63  }
0x74: {  	s26 =	rddreg [dreg:$0xc];
	s29 =	simm.s32 $0x14400  }
0x75: {  	[tilespmem:s29], [sflag:$0x9] =	stream.linear.gather [hbm4b:s26+s23], $0x50, $0x38;
	[tilespmem:$0x1E600] =	vst v63  }
0x76: {  	s31 =	rddreg [dreg:$0xd]  }
0x77: {  	[tilespmem:s3], [sflag:$0xA] =	stream.linear.gather [hbm4b:s31+s23], $0x50, $0x38;
	[tilespmem:$0x1E600] =	vst v63  }
0x78: {  	s26 =	rddreg [dreg:$0xe]  }
0x79: {  	[tilespmem:s7], [sflag:$0xA] =	stream.linear.gather [hbm4b:s26+s23], $0x50, $0x38;
	[tilespmem:$0x1E600] =	vst v63  }
0x7a: {  	s29 =	rddreg [dreg:$0xf]  }
0x7b: {  	[tilespmem:s30], [sflag:$0xB] =	stream.linear.gather [hbm4b:s29+s23], $0x50, $0x38;
	[tilespmem:$0x1E600] =	vst v63  }
0x7c: {  	s31 =	rddreg [dreg:$0x10]  }
0x7d: {  	[tilespmem:s8], [sflag:$0xB] =	stream.linear.gather [hbm4b:s31+s23], $0x50, $0x38;
	[tilespmem:$0x1E600] =	vst v63  }
0x7e: {  	_ =	swait.ge [sflag:s28], $0x2800  }
0x7f: {  	[sflag:s28] =	ssyncset.done $0x0  }
0x80: {  	[sflag:s28] =	ssyncadd.s32 $0xFFFFD800  }
0x81: {  	_ =	swait.ge [sflag:s28], $0x2800  }
0x82: {  	[sflag:s28] =	ssyncset.done $0x0  }
0x83: {  	[sflag:s28] =	ssyncadd.s32 $0xFFFFD800  }
0x84: {  	_ =	swait.ge [sflag:s28], $0x2800  }
0x85: {  	[sflag:s28] =	ssyncset.done $0x0  }
0x86: {  	[sflag:s28] =	ssyncadd.s32 $0xFFFFD800  }
0x87: {  	_ =	swait.ge [sflag:s28], $0x2800  }
0x88: {  	[sflag:s28] =	ssyncset.done $0x0  }
0x89: {  	[sflag:s28] =	ssyncadd.s32 $0xFFFFD800  }
0x8a: {  	_ =	swait.ge [sflag:s28], $0x2800  }
0x8b: {  	[sflag:s28] =	ssyncset.done $0x0  }
0x8c: {  	[sflag:s28] =	ssyncadd.s32 $0xFFFFD800  }
0x8d: {  	_ =	swait.ge [sflag:s28], $0x2800  }
0x8e: {  	[sflag:s28] =	ssyncset.done $0x0  }
0x8f: {  	[sflag:s28] =	ssyncadd.s32 $0xFFFFD800  }
0x90: {  	_ =	swait.ge [sflag:s28], $0x2800  }
0x91: {  	[sflag:s28] =	ssyncset.done $0x0  }
0x92: {  	[sflag:s28] =	ssyncadd.s32 $0xFFFFD800  }
0x93: {  	_ =	swait.ge [sflag:s28], $0x2800  }
0x94: {  	[sflag:s28] =	ssyncset.done $0x0  }
0x95: {  	[sflag:s28] =	ssyncadd.s32 $0xFFFFD800  }
0x96: {  	_ =	swait.ge [sflag:s10], $0x50  }
0x97: {  	[sflag:s10] =	ssyncset.done $0x0  }
0x98: {  	[sflag:s10] =	ssyncadd.s32 $0xFFFFFFB0  }
0x99: {  	_ =	swait.ge [sflag:s10], $0x50  }
0x9a: {  	[sflag:s10] =	ssyncset.done $0x0  }
0x9b: {  	[sflag:s10] =	ssyncadd.s32 $0xFFFFFFB0  }
0x9c: {  	[tilespmem:s13], [sflag:$0x1] =	stream.indirect.gather [hbm4b:s1+s11], $0x80, s24, s11, $0xb8;
	[tilespmem:$0x1E600] =	vst v63  }
0x9d: {  	_ =	swait.ge [sflag:s12], $0x50  }
0x9e: {  	[sflag:s12] =	ssyncset.done $0x0  }
0x9f: {  	[sflag:s12] =	ssyncadd.s32 $0xFFFFFFB0  }
0xa0: {  	_ =	swait.ge [sflag:s12], $0x50  }
0xa1: {  	[sflag:s12] =	ssyncset.done $0x0  }
0xa2: {  	[sflag:s12] =	ssyncadd.s32 $0xFFFFFFB0  }
0xa3: {  	[tilespmem:s17], [sflag:$0x2] =	stream.indirect.gather [hbm4b:s1+s11], $0x80, s25, s11, $0xb8;
	[tilespmem:$0x1E600] =	vst v63  }
0xa4: {  	[bflag:$0x0] =	sbarrier.arrive $0xFFFF  }
0xa5: {  	s24 =	simm.s32 $0xFFFFFFFF;
	s25 =	rddreg [dreg:$0x1d]  }
.LBB2_6:
0xa6: {  	p0 =	sgt.u32 s24, $0x7C  }
0xa7: {  	s26 =	simm.s32 @!p0 $0x6  }
0xa8: {  	_ =	swait.ge @!p0 [sflag:s26], $0x2800  }
0xa9: {  	[sflag:s26] =	ssyncset.done @!p0 $0x0  }
0xaa: {  	[sflag:s26] =	ssyncadd.s32 @!p0 $0xFFFFD800  }
0xab: {  	_ =	swait.ge [sflag:s9], $0x2800  }
0xac: {  	[sflag:s9] =	ssyncset.done $0x0  }
0xad: {  	s0 =	simm.s32 $0x14300;
	[sflag:s9] =	ssyncadd.s32 $0xFFFFD800  }
0xae: {  	[spmem:s2] =	stream.indirect.scatter.add.f32 [tilespmem:s13], [sflag:$0x4], $0x80, s0, s11, $0xb8;
	[tilespmem:$0x1E600] =	vst v63  }
0xaf: {  	v1 =	vld [tilespmem:$0x14300];
	_ =	sdelay $0x4  }
0xb0: {  	(xrf1) =	vunique.msk.u32 $0xffff, v1;
	_ =	sdelay $0xd  }
0xb1: {  	_, v2, vm0 =	vpop (xrf1);
	_ =	sdelay $0x3  }
0xb2: {  	v2 =	vcvt.s32.f32 v2;
	_ =	sdelay $0x1  }
0xb3: {  	[tilespmem:v1+s14+$0x0] =	vst.idx.add.f32.msk vm0, v2  }
0xb4: {  	v1 =	vld [tilespmem:$0x14310];
	_ =	sdelay $0x4  }
0xb5: {  	(xrf1) =	vunique.msk.u32 $0xffff, v1;
	_ =	sdelay $0xd  }
0xb6: {  	_, v2, vm0 =	vpop (xrf1);
	_ =	sdelay $0x3  }
0xb7: {  	v2 =	vcvt.s32.f32 v2;
	_ =	sdelay $0x1  }
0xb8: {  	[tilespmem:v1+s14+$0x0] =	vst.idx.add.f32.msk vm0, v2  }
0xb9: {  	v1 =	vld [tilespmem:$0x14320];
	_ =	sdelay $0x4  }
0xba: {  	(xrf1) =	vunique.msk.u32 $0xffff, v1;
	_ =	sdelay $0xd  }
0xbb: {  	_, v2, vm0 =	vpop (xrf1);
	_ =	sdelay $0x3  }
0xbc: {  	v2 =	vcvt.s32.f32 v2;
	_ =	sdelay $0x1  }
0xbd: {  	[tilespmem:v1+s14+$0x0] =	vst.idx.add.f32.msk vm0, v2  }
0xbe: {  	v1 =	vld [tilespmem:$0x14330];
	_ =	sdelay $0x4  }
0xbf: {  	(xrf1) =	vunique.msk.u32 $0xffff, v1;
	_ =	sdelay $0xd  }
0xc0: {  	_, v2, vm0 =	vpop (xrf1);
	_ =	sdelay $0x3  }
0xc1: {  	v2 =	vcvt.s32.f32 v2;
	_ =	sdelay $0x1  }
0xc2: {  	[tilespmem:v1+s14+$0x0] =	vst.idx.add.f32.msk vm0, v2  }
0xc3: {  	v1 =	vld [tilespmem:$0x14340];
	_ =	sdelay $0x4  }
0xc4: {  	(xrf1) =	vunique.msk.u32 $0xffff, v1;
	_ =	sdelay $0xd  }
0xc5: {  	_, v2, vm0 =	vpop (xrf1);
	_ =	sdelay $0x3  }
0xc6: {  	p0 =	seq.s32 s23, $0x4B0;
	v2 =	vcvt.s32.f32 v2  }
0xc7: {  	s28 =	simm.s32 @!p0 $0x0;
	s0 =	rddreg [dreg:$0x1f]  }
0xc8: {  	s26 =	simm.s32 @!p0 $0x14280;
	s29 =	sadd.s32 @!p0 s23, s0;
	s0 =	rddreg [dreg:$0x1e];
	[tilespmem:v1+s14+$0x0] =	vst.idx.add.f32.msk vm0, v2  }
0xc9: {  	[tilespmem:s26], [sflag:$0xC] =	stream.linear.gather @!p0 [hbm4b:s29+s28], $0x50, $0x38;
	[tilespmem:$0x1E600] =	vst v63  }
0xca: {  	s31 =	simm.s32 @!p0 $0x14580;
	s29 =	sadd.s32 @!p0 s23, s0  }
0xcb: {  	[tilespmem:s31], [sflag:$0xC] =	stream.linear.gather @!p0 [hbm4b:s29+s28], $0x50, $0x38;
	[tilespmem:$0x1E600] =	vst v63  }
0xcc: {  	_ =	swait.ge [sflag:s15], $0x50  }
0xcd: {  	[sflag:s15] =	ssyncset.done $0x0  }
0xce: {  	[sflag:s15] =	ssyncadd.s32 $0xFFFFFFB0  }
0xcf: {  	_ =	swait.ge [sflag:s15], $0x50  }
0xd0: {  	[sflag:s15] =	ssyncset.done $0x0  }
0xd1: {  	s31 =	simm.s32 $0x14100;
	[sflag:s15] =	ssyncadd.s32 $0xFFFFFFB0  }
0xd2: {  	[tilespmem:s16], [sflag:$0x3] =	stream.indirect.gather [hbm4b:s1+s11], $0x80, s31, s11, $0xb8;
	[tilespmem:$0x1E600] =	vst v63  }
0xd3: {  	_ =	swait.ge [sflag:s18], $0x2800  }
0xd4: {  	[sflag:s18] =	ssyncset.done $0x0  }
0xd5: {  	[sflag:s18] =	ssyncadd.s32 $0xFFFFD800  }
0xd6: {  	_ =	swait.ge [sflag:s20], $0x2800  }
0xd7: {  	[sflag:s20] =	ssyncset.done $0x0  }
0xd8: {  	s29 =	simm.s32 $0x14380;
	[sflag:s20] =	ssyncadd.s32 $0xFFFFD800  }
0xd9: {  	[spmem:s2] =	stream.indirect.scatter.add.f32 [tilespmem:s17], [sflag:$0x5], $0x80, s29, s11, $0xb8;
	[tilespmem:$0x1E600] =	vst v63  }
0xda: {  	v1 =	vld [tilespmem:$0x14380];
	_ =	sdelay $0x4  }
0xdb: {  	(xrf1) =	vunique.msk.u32 $0xffff, v1;
	_ =	sdelay $0xd  }
0xdc: {  	_, v2, vm0 =	vpop (xrf1);
	_ =	sdelay $0x3  }
0xdd: {  	v2 =	vcvt.s32.f32 v2;
	_ =	sdelay $0x1  }
0xde: {  	[tilespmem:v1+s14+$0x0] =	vst.idx.add.f32.msk vm0, v2  }
0xdf: {  	v1 =	vld [tilespmem:$0x14390];
	_ =	sdelay $0x4  }
0xe0: {  	(xrf1) =	vunique.msk.u32 $0xffff, v1;
	_ =	sdelay $0xd  }
0xe1: {  	_, v2, vm0 =	vpop (xrf1);
	_ =	sdelay $0x3  }
0xe2: {  	v2 =	vcvt.s32.f32 v2;
	_ =	sdelay $0x1  }
0xe3: {  	[tilespmem:v1+s14+$0x0] =	vst.idx.add.f32.msk vm0, v2  }
0xe4: {  	v1 =	vld [tilespmem:$0x143A0];
	_ =	sdelay $0x4  }
0xe5: {  	(xrf1) =	vunique.msk.u32 $0xffff, v1;
	_ =	sdelay $0xd  }
0xe6: {  	_, v2, vm0 =	vpop (xrf1);
	_ =	sdelay $0x3  }
0xe7: {  	v2 =	vcvt.s32.f32 v2;
	_ =	sdelay $0x1  }
0xe8: {  	[tilespmem:v1+s14+$0x0] =	vst.idx.add.f32.msk vm0, v2  }
0xe9: {  	v1 =	vld [tilespmem:$0x143B0];
	_ =	sdelay $0x4  }
0xea: {  	(xrf1) =	vunique.msk.u32 $0xffff, v1;
	_ =	sdelay $0xd  }
0xeb: {  	_, v2, vm0 =	vpop (xrf1);
	_ =	sdelay $0x3  }
0xec: {  	v2 =	vcvt.s32.f32 v2;
	_ =	sdelay $0x1  }
0xed: {  	[tilespmem:v1+s14+$0x0] =	vst.idx.add.f32.msk vm0, v2  }
0xee: {  	v1 =	vld [tilespmem:$0x143C0];
	_ =	sdelay $0x4  }
0xef: {  	(xrf1) =	vunique.msk.u32 $0xffff, v1;
	_ =	sdelay $0xd  }
0xf0: {  	_, v2, vm0 =	vpop (xrf1);
	_ =	sdelay $0x3  }
0xf1: {  	v2 =	vcvt.s32.f32 v2  }
0xf2: {  	s0 =	rddreg [dreg:$0x5];
	s29 =	sshrl.u32 @!p0 s25, $0x3  }
0xf3: {  	s31 =	sadd.s32 @!p0 s0, s29;
	s0 =	simm.s32 @!p0 $0x14000;
	[tilespmem:v1+s14+$0x0] =	vst.idx.add.f32.msk vm0, v2  }
0xf4: {  	[tilespmem:s0], [sflag:$0x7] =	stream.linear.gather @!p0 [hbm4b:s31+s28], $0x50, $0x38;
	[tilespmem:$0x1E600] =	vst v63  }
0xf5: {  	s0 =	rddreg [dreg:$0x6]  }
0xf6: {  	s0 =	sadd.s32 @!p0 s0, s29;
	s29 =	simm.s32 @!p0 $0x14300  }
0xf7: {  	[tilespmem:s29], [sflag:$0x7] =	stream.linear.gather @!p0 [hbm4b:s0+s28], $0x50, $0x38;
	[tilespmem:$0x1E600] =	vst v63  }
0xf8: {  	_ =	swait.ge [sflag:s21], $0x50  }
0xf9: {  	[sflag:s21] =	ssyncset.done $0x0  }
0xfa: {  	[sflag:s21] =	ssyncadd.s32 $0xFFFFFFB0  }
0xfb: {  	_ =	swait.ge [sflag:s21], $0x50  }
0xfc: {  	[sflag:s21] =	ssyncset.done $0x0  }
0xfd: {  	[sflag:s21] =	ssyncadd.s32 $0xFFFFFFB0  }
0xfe: {  	[tilespmem:s13], [sflag:$0x1] =	stream.indirect.gather [hbm4b:s1+s11], $0x80, s3, s11, $0xb8;
	[tilespmem:$0x1E600] =	vst v63  }
0xff: {  	_ =	swait.ge [sflag:s5], $0x2800  }
0x100: {  	[sflag:s5] =	ssyncset.done $0x0  }
0x101: {  	[sflag:s5] =	ssyncadd.s32 $0xFFFFD800  }
0x102: {  	_ =	swait.ge [sflag:s6], $0x2800  }
0x103: {  	[sflag:s6] =	ssyncset.done $0x0  }
0x104: {  	s31 =	simm.s32 $0x14400;
	[sflag:s6] =	ssyncadd.s32 $0xFFFFD800  }
0x105: {  	[spmem:s2] =	stream.indirect.scatter.add.f32 [tilespmem:s16], [sflag:$0x6], $0x80, s31, s11, $0xb8;
	[tilespmem:$0x1E600] =	vst v63  }
0x106: {  	v1 =	vld [tilespmem:$0x14400];
	_ =	sdelay $0x4  }
0x107: {  	(xrf1) =	vunique.msk.u32 $0xffff, v1;
	_ =	sdelay $0xd  }
0x108: {  	_, v2, vm0 =	vpop (xrf1);
	_ =	sdelay $0x3  }
0x109: {  	v2 =	vcvt.s32.f32 v2;
	_ =	sdelay $0x1  }
0x10a: {  	[tilespmem:v1+s14+$0x0] =	vst.idx.add.f32.msk vm0, v2  }
0x10b: {  	v1 =	vld [tilespmem:$0x14410];
	_ =	sdelay $0x4  }
0x10c: {  	(xrf1) =	vunique.msk.u32 $0xffff, v1;
	_ =	sdelay $0xd  }
0x10d: {  	_, v2, vm0 =	vpop (xrf1);
	_ =	sdelay $0x3  }
0x10e: {  	v2 =	vcvt.s32.f32 v2;
	_ =	sdelay $0x1  }
0x10f: {  	[tilespmem:v1+s14+$0x0] =	vst.idx.add.f32.msk vm0, v2  }
0x110: {  	v1 =	vld [tilespmem:$0x14420];
	_ =	sdelay $0x4  }
0x111: {  	(xrf1) =	vunique.msk.u32 $0xffff, v1;
	_ =	sdelay $0xd  }
0x112: {  	_, v2, vm0 =	vpop (xrf1);
	_ =	sdelay $0x3  }
0x113: {  	v2 =	vcvt.s32.f32 v2;
	_ =	sdelay $0x1  }
0x114: {  	[tilespmem:v1+s14+$0x0] =	vst.idx.add.f32.msk vm0, v2  }
0x115: {  	v1 =	vld [tilespmem:$0x14430];
	_ =	sdelay $0x4  }
0x116: {  	(xrf1) =	vunique.msk.u32 $0xffff, v1;
	_ =	sdelay $0xd  }
0x117: {  	_, v2, vm0 =	vpop (xrf1);
	_ =	sdelay $0x3  }
0x118: {  	v2 =	vcvt.s32.f32 v2;
	_ =	sdelay $0x1  }
0x119: {  	[tilespmem:v1+s14+$0x0] =	vst.idx.add.f32.msk vm0, v2  }
0x11a: {  	v1 =	vld [tilespmem:$0x14440];
	_ =	sdelay $0x4  }
0x11b: {  	(xrf1) =	vunique.msk.u32 $0xffff, v1;
	_ =	sdelay $0xd  }
0x11c: {  	_, v2, vm0 =	vpop (xrf1);
	_ =	sdelay $0x3  }
0x11d: {  	v2 =	vcvt.s32.f32 v2  }
0x11e: {  	s0 =	rddreg [dreg:$0x1c]  }
0x11f: {  	s29 =	simm.s32 @!p0 $0x14080;
	s0 =	sadd.s32 @!p0 s23, s0;
	[tilespmem:v1+s14+$0x0] =	vst.idx.add.f32.msk vm0, v2  }
0x120: {  	[tilespmem:s29], [sflag:$0x8] =	stream.linear.gather @!p0 [hbm4b:s0+s28], $0x50, $0x38;
	[tilespmem:$0x1E600] =	vst v63  }
0x121: {  	s0 =	rddreg [dreg:$0x1b]  }
0x122: {  	s29 =	simm.s32 @!p0 $0x14380;
	s0 =	sadd.s32 @!p0 s23, s0  }
0x123: {  	[tilespmem:s29], [sflag:$0x8] =	stream.linear.gather @!p0 [hbm4b:s0+s28], $0x50, $0x38;
	[tilespmem:$0x1E600] =	vst v63  }
0x124: {  	_ =	swait.ge [sflag:s19], $0x50  }
0x125: {  	[sflag:s19] =	ssyncset.done $0x0  }
0x126: {  	[sflag:s19] =	ssyncadd.s32 $0xFFFFFFB0  }
0x127: {  	_ =	swait.ge [sflag:s19], $0x50  }
0x128: {  	[sflag:s19] =	ssyncset.done $0x0  }
0x129: {  	[sflag:s19] =	ssyncadd.s32 $0xFFFFFFB0  }
0x12a: {  	[tilespmem:s17], [sflag:$0x2] =	stream.indirect.gather [hbm4b:s1+s11], $0x80, s30, s11, $0xb8;
	[tilespmem:$0x1E600] =	vst v63  }
0x12b: {  	_ =	swait.ge [sflag:s22], $0x2800  }
0x12c: {  	[sflag:s22] =	ssyncset.done $0x0  }
0x12d: {  	[sflag:s22] =	ssyncadd.s32 $0xFFFFD800  }
0x12e: {  	_ =	swait.ge [sflag:s9], $0x2800  }
0x12f: {  	[sflag:s9] =	ssyncset.done $0x0  }
0x130: {  	[sflag:s9] =	ssyncadd.s32 $0xFFFFD800  }
0x131: {  	[spmem:s2] =	stream.indirect.scatter.add.f32 [tilespmem:s13], [sflag:$0x4], $0x80, s7, s11, $0xb8;
	[tilespmem:$0x1E600] =	vst v63  }
0x132: {  	v1 =	vld [tilespmem:$0x14480];
	_ =	sdelay $0x4  }
0x133: {  	(xrf1) =	vunique.msk.u32 $0xffff, v1;
	_ =	sdelay $0xd  }
0x134: {  	_, v2, vm0 =	vpop (xrf1);
	_ =	sdelay $0x3  }
0x135: {  	v2 =	vcvt.s32.f32 v2;
	_ =	sdelay $0x1  }
0x136: {  	[tilespmem:v1+s14+$0x0] =	vst.idx.add.f32.msk vm0, v2  }
0x137: {  	v1 =	vld [tilespmem:$0x14490];
	_ =	sdelay $0x4  }
0x138: {  	(xrf1) =	vunique.msk.u32 $0xffff, v1;
	_ =	sdelay $0xd  }
0x139: {  	_, v2, vm0 =	vpop (xrf1);
	_ =	sdelay $0x3  }
0x13a: {  	v2 =	vcvt.s32.f32 v2;
	_ =	sdelay $0x1  }
0x13b: {  	[tilespmem:v1+s14+$0x0] =	vst.idx.add.f32.msk vm0, v2  }
0x13c: {  	v1 =	vld [tilespmem:$0x144A0];
	_ =	sdelay $0x4  }
0x13d: {  	(xrf1) =	vunique.msk.u32 $0xffff, v1;
	_ =	sdelay $0xd  }
0x13e: {  	_, v2, vm0 =	vpop (xrf1);
	_ =	sdelay $0x3  }
0x13f: {  	v2 =	vcvt.s32.f32 v2;
	_ =	sdelay $0x1  }
0x140: {  	[tilespmem:v1+s14+$0x0] =	vst.idx.add.f32.msk vm0, v2  }
0x141: {  	v1 =	vld [tilespmem:$0x144B0];
	_ =	sdelay $0x4  }
0x142: {  	(xrf1) =	vunique.msk.u32 $0xffff, v1;
	_ =	sdelay $0xd  }
0x143: {  	_, v2, vm0 =	vpop (xrf1);
	_ =	sdelay $0x3  }
0x144: {  	v2 =	vcvt.s32.f32 v2;
	_ =	sdelay $0x1  }
0x145: {  	[tilespmem:v1+s14+$0x0] =	vst.idx.add.f32.msk vm0, v2  }
0x146: {  	v1 =	vld [tilespmem:$0x144C0];
	_ =	sdelay $0x4  }
0x147: {  	(xrf1) =	vunique.msk.u32 $0xffff, v1;
	_ =	sdelay $0xd  }
0x148: {  	_, v2, vm0 =	vpop (xrf1);
	_ =	sdelay $0x3  }
0x149: {  	v2 =	vcvt.s32.f32 v2  }
0x14a: {  	s0 =	rddreg [dreg:$0x1a]  }
0x14b: {  	s29 =	simm.s32 @!p0 $0x14100;
	s0 =	sadd.s32 @!p0 s23, s0;
	[tilespmem:v1+s14+$0x0] =	vst.idx.add.f32.msk vm0, v2  }
0x14c: {  	[tilespmem:s29], [sflag:$0x9] =	stream.linear.gather @!p0 [hbm4b:s0+s28], $0x50, $0x38;
	[tilespmem:$0x1E600] =	vst v63  }
0x14d: {  	s0 =	rddreg [dreg:$0x19]  }
0x14e: {  	s29 =	simm.s32 @!p0 $0x14400;
	s0 =	sadd.s32 @!p0 s23, s0  }
0x14f: {  	[tilespmem:s29], [sflag:$0x9] =	stream.linear.gather @!p0 [hbm4b:s0+s28], $0x50, $0x38;
	[tilespmem:$0x1E600] =	vst v63  }
0x150: {  	s0 =	simm.s32 @!p0 $0xC  }
0x151: {  	_ =	swait.ge @!p0 [sflag:s0], $0x50  }
0x152: {  	[sflag:s0] =	ssyncset.done @!p0 $0x0  }
0x153: {  	[sflag:s0] =	ssyncadd.s32 @!p0 $0xFFFFFFB0  }
0x154: {  	_ =	swait.ge @!p0 [sflag:s0], $0x50  }
0x155: {  	[sflag:s0] =	ssyncset.done @!p0 $0x0  }
0x156: {  	s28 =	simm.s32 @!p0 $0x19600;
	[sflag:s0] =	ssyncadd.s32 @!p0 $0xFFFFFFB0;
	s0 =	simm.s32 @!p0 $0x50  }
0x157: {  	[tilespmem:s28], [sflag:$0x3] =	stream.indirect.gather @!p0 [hbm4b:s1+s0], $0x80, s26, s0, $0xb8;
	[tilespmem:$0x1E600] =	vst v63  }
0x158: {  	_ =	swait.ge [sflag:s18], $0x2800  }
0x159: {  	[sflag:s18] =	ssyncset.done $0x0  }
0x15a: {  	[sflag:s18] =	ssyncadd.s32 $0xFFFFD800  }
0x15b: {  	_ =	swait.ge [sflag:s20], $0x2800  }
0x15c: {  	[sflag:s20] =	ssyncset.done $0x0  }
0x15d: {  	[sflag:s20] =	ssyncadd.s32 $0xFFFFD800  }
0x15e: {  	[spmem:s2] =	stream.indirect.scatter.add.f32 [tilespmem:s17], [sflag:$0x5], $0x80, s8, s11, $0xb8;
	[tilespmem:$0x1E600] =	vst v63  }
0x15f: {  	v1 =	vld [tilespmem:$0x14500];
	_ =	sdelay $0x4  }
0x160: {  	(xrf1) =	vunique.msk.u32 $0xffff, v1;
	_ =	sdelay $0xd  }
0x161: {  	_, v2, vm0 =	vpop (xrf1);
	_ =	sdelay $0x3  }
0x162: {  	v2 =	vcvt.s32.f32 v2;
	_ =	sdelay $0x1  }
0x163: {  	[tilespmem:v1+s14+$0x0] =	vst.idx.add.f32.msk vm0, v2  }
0x164: {  	v1 =	vld [tilespmem:$0x14510];
	_ =	sdelay $0x4  }
0x165: {  	(xrf1) =	vunique.msk.u32 $0xffff, v1;
	_ =	sdelay $0xd  }
0x166: {  	_, v2, vm0 =	vpop (xrf1);
	_ =	sdelay $0x3  }
0x167: {  	v2 =	vcvt.s32.f32 v2;
	_ =	sdelay $0x1  }
0x168: {  	[tilespmem:v1+s14+$0x0] =	vst.idx.add.f32.msk vm0, v2  }
0x169: {  	v1 =	vld [tilespmem:$0x14520];
	_ =	sdelay $0x4  }
0x16a: {  	(xrf1) =	vunique.msk.u32 $0xffff, v1;
	_ =	sdelay $0xd  }
0x16b: {  	_, v2, vm0 =	vpop (xrf1);
	_ =	sdelay $0x3  }
0x16c: {  	v2 =	vcvt.s32.f32 v2;
	_ =	sdelay $0x1  }
0x16d: {  	[tilespmem:v1+s14+$0x0] =	vst.idx.add.f32.msk vm0, v2  }
0x16e: {  	v1 =	vld [tilespmem:$0x14530];
	_ =	sdelay $0x4  }
0x16f: {  	(xrf1) =	vunique.msk.u32 $0xffff, v1;
	_ =	sdelay $0xd  }
0x170: {  	_, v2, vm0 =	vpop (xrf1);
	_ =	sdelay $0x3  }
0x171: {  	v2 =	vcvt.s32.f32 v2;
	_ =	sdelay $0x1  }
0x172: {  	[tilespmem:v1+s14+$0x0] =	vst.idx.add.f32.msk vm0, v2  }
0x173: {  	v1 =	vld [tilespmem:$0x14540];
	_ =	sdelay $0x4  }
0x174: {  	(xrf1) =	vunique.msk.u32 $0xffff, v1;
	_ =	sdelay $0xd  }
0x175: {  	_, v2, vm0 =	vpop (xrf1);
	_ =	sdelay $0x1  }
.Ltmp4:
0x176: {  	_ = 	snop;
	(pc) =	sbr.rel @p0 .LBB2_8-.Ltmp4, $3  }
0x177: {  	_ = 	snop  }
0x178: {  	v2 =	vcvt.s32.f32 v2;
	_ =	sdelay $0x1  }
0x179: {  	[tilespmem:v1+s14+$0x0] =	vst.idx.add.f32.msk vm0, v2  }
0x17a: {  	s0 =	rddreg [dreg:$0x18]  }
0x17b: {  	s29 =	rddreg [dreg:$0x17];
	s0 =	sadd.s32 s23, s0  }
0x17c: {  	[tilespmem:s3], [sflag:$0xA] =	stream.linear.gather [hbm4b:s0+s4], $0x50, $0x38;
	[tilespmem:$0x1E600] =	vst v63  }
0x17d: {  	s0 =	sadd.s32 s23, s29  }
0x17e: {  	[tilespmem:s7], [sflag:$0xA] =	stream.linear.gather [hbm4b:s0+s4], $0x50, $0x38;
	[tilespmem:$0x1E600] =	vst v63  }
0x17f: {  	_ =	swait.ge [sflag:s10], $0x50  }
0x180: {  	[sflag:s10] =	ssyncset.done $0x0  }
0x181: {  	[sflag:s10] =	ssyncadd.s32 $0xFFFFFFB0  }
0x182: {  	_ =	swait.ge [sflag:s10], $0x50  }
0x183: {  	[sflag:s10] =	ssyncset.done $0x0  }
0x184: {  	s31 =	simm.s32 $0x14000;
	[sflag:s10] =	ssyncadd.s32 $0xFFFFFFB0  }
0x185: {  	[tilespmem:s13], [sflag:$0x1] =	stream.indirect.gather [hbm4b:s1+s11], $0x80, s31, s11, $0xb8;
	[tilespmem:$0x1E600] =	vst v63  }
0x186: {  	_ =	swait.ge [sflag:s5], $0x2800  }
0x187: {  	[sflag:s5] =	ssyncset.done $0x0  }
0x188: {  	[sflag:s5] =	ssyncadd.s32 $0xFFFFD800  }
0x189: {  	_ =	swait.ge [sflag:s6], $0x2800  }
0x18a: {  	[sflag:s6] =	ssyncset.done $0x0  }
0x18b: {  	s26 =	simm.s32 $0x14580;
	[sflag:s6] =	ssyncadd.s32 $0xFFFFD800  }
0x18c: {  	[spmem:s2] =	stream.indirect.scatter.add.f32 [tilespmem:s16], [sflag:$0x6], $0x80, s26, s11, $0xb8;
	[tilespmem:$0x1E600] =	vst v63  }
0x18d: {  	v1 =	vld [tilespmem:$0x14580];
	_ =	sdelay $0x4  }
0x18e: {  	(xrf1) =	vunique.msk.u32 $0xffff, v1;
	_ =	sdelay $0xd  }
0x18f: {  	_, v2, vm0 =	vpop (xrf1);
	_ =	sdelay $0x3  }
0x190: {  	v2 =	vcvt.s32.f32 v2;
	_ =	sdelay $0x1  }
0x191: {  	[tilespmem:v1+s14+$0x0] =	vst.idx.add.f32.msk vm0, v2  }
0x192: {  	v1 =	vld [tilespmem:$0x14590];
	_ =	sdelay $0x4  }
0x193: {  	(xrf1) =	vunique.msk.u32 $0xffff, v1;
	_ =	sdelay $0xd  }
0x194: {  	_, v2, vm0 =	vpop (xrf1);
	_ =	sdelay $0x3  }
0x195: {  	v2 =	vcvt.s32.f32 v2;
	_ =	sdelay $0x1  }
0x196: {  	[tilespmem:v1+s14+$0x0] =	vst.idx.add.f32.msk vm0, v2  }
0x197: {  	v1 =	vld [tilespmem:$0x145A0];
	_ =	sdelay $0x4  }
0x198: {  	(xrf1) =	vunique.msk.u32 $0xffff, v1;
	_ =	sdelay $0xd  }
0x199: {  	_, v2, vm0 =	vpop (xrf1);
	_ =	sdelay $0x3  }
0x19a: {  	v2 =	vcvt.s32.f32 v2;
	_ =	sdelay $0x1  }
0x19b: {  	[tilespmem:v1+s14+$0x0] =	vst.idx.add.f32.msk vm0, v2  }
0x19c: {  	v1 =	vld [tilespmem:$0x145B0];
	_ =	sdelay $0x4  }
0x19d: {  	(xrf1) =	vunique.msk.u32 $0xffff, v1;
	_ =	sdelay $0xd  }
0x19e: {  	_, v2, vm0 =	vpop (xrf1);
	_ =	sdelay $0x3  }
0x19f: {  	v2 =	vcvt.s32.f32 v2;
	_ =	sdelay $0x1  }
0x1a0: {  	[tilespmem:v1+s14+$0x0] =	vst.idx.add.f32.msk vm0, v2  }
0x1a1: {  	v1 =	vld [tilespmem:$0x145C0];
	_ =	sdelay $0x4  }
0x1a2: {  	(xrf1) =	vunique.msk.u32 $0xffff, v1;
	_ =	sdelay $0xd  }
0x1a3: {  	_, v2, vm0 =	vpop (xrf1);
	_ =	sdelay $0x3  }
0x1a4: {  	v2 =	vcvt.s32.f32 v2  }
0x1a5: {  	s28 =	rddreg [dreg:$0x16]  }
0x1a6: {  	s29 =	rddreg [dreg:$0x13];
	s0 =	sadd.s32 s23, s28;
	[tilespmem:v1+s14+$0x0] =	vst.idx.add.f32.msk vm0, v2  }
0x1a7: {  	[tilespmem:s30], [sflag:$0xB] =	stream.linear.gather [hbm4b:s0+s4], $0x50, $0x38;
	[tilespmem:$0x1E600] =	vst v63  }
0x1a8: {  	s0 =	sadd.s32 s23, s29  }
0x1a9: {  	[tilespmem:s8], [sflag:$0xB] =	stream.linear.gather [hbm4b:s0+s4], $0x50, $0x38;
	[tilespmem:$0x1E600] =	vst v63  }
0x1aa: {  	_ =	swait.ge [sflag:s12], $0x50  }
0x1ab: {  	[sflag:s12] =	ssyncset.done $0x0  }
.Ltmp5:
0x1ac: {  	[sflag:s12] =	ssyncadd.s32 $0xFFFFFFB0;
	(pc) =	sbr.rel .LBB2_6-.Ltmp5, $4  }
0x1ad: {  	_ =	swait.ge [sflag:s12], $0x50  }
0x1ae: {  	s25 =	sadd.s32 $0x1E0, s25;
	s24 =	sadd.s32 $0x6, s24;
	[sflag:s12] =	ssyncset.done $0x0  }
0x1af: {  	s31 =	simm.s32 $0x14080;
	s23 =	sadd.s32 $0x3C, s23;
	[sflag:s12] =	ssyncadd.s32 $0xFFFFFFB0  }
0x1b0: {  	[tilespmem:s17], [sflag:$0x2] =	stream.indirect.gather [hbm4b:s1+s11], $0x80, s31, s11, $0xb8;
	[tilespmem:$0x1E600] =	vst v63  }
.LBB2_9:
0x1b1: {  	_ =	sfence.sel $0x180000  }
0x1b2: {  	[bflag:$0x0] =	sbarrier.arrive $0xFFFF  }
0x1b3: {  	_ =	strace $0x90000047  }
0x1b4: {  	s0 =	stileid.u32;
	[bflag:$0x2] =	sbarrier.arrive $0xFFFF  }
0x1b5: {  	p0 =	sne.s32 s0, $0x0;
	s0 =	rddreg [dreg:$0x4]  }
0x1b6: {  	s0 =	sadd.s32 @!p0 $0x100000, s0  }
0x1b7: {  	[sflag:s0] =	ssyncadd.tile.s32 @!p0 $0x1;
	_ =	shalt  }
.Lfunc_end2:
_tile_overlayer_lowered:
.L_overlay_start_2:
0x1b8: {  	(tag) =	ssettag $0x2  }
0x1b9: {  	s0 =	rddreg [dreg:$0x0];
	s2 =	stileid.u32  }
0x1ba: {  	s1 =	rddreg [dreg:$0x1];
	p0 =	sne.s32 s2, $0x0  }
0x1bb: {  	s3 =	rddreg [dreg:$0x2];
	[bflag:$0x3] =	sbarrier.arrive $0xFFFF;
	s2 =	simm.s32 @!p0 $0x1C0E  }
0x1bc: {  	[timem:s3], [sflag:s2] =	dma.local @!p0 [hbm:s0], s1  }
0x1bd: {  	s0 =	simm.s32 @!p0 $0xE  }
0x1be: {  	_ =	swait.ge @!p0 [sflag:s0], s1  }
0x1bf: {  	s1 =	ssub.s32 @!p0 $0x0, s1;
	[sflag:s0] =	ssyncset.done @!p0 $0x0  }
0x1c0: {  	[sflag:s0] =	ssyncadd.s32 @!p0 s1  }
0x1c1: {  	[bflag:$0x3] =	sbarrier.arrive $0xFFFF  }
0x1c2: {  	_ =	shalt  }

</sc_bundles>
